<compile_context>
chip_gen: v7x
topology: tpu7x:2x2x1
jax: 0.10.2.dev20260603
libtpu: 0.0.44.dev20260713+nightly
codegen_flags: <defaults>
</compile_context>

<pallas_src>
import functools

import jax
import jax.numpy as jnp
from jax import lax
from jax.experimental import pallas as pl
from jax.experimental.pallas import tpu as pltpu
from jax.experimental.pallas import tpu_sc as plsc

N = 1000000
D = 32
L = 16
STRIDE = 4096
NSAMP = 256
WIN = STRIDE + L
WMAX = N - WIN
CBLK = 256
TAIL = (N // 128) * 128
TAILW = N - TAIL
CMAX = TAIL - CBLK

_mesh = plsc.VectorSubcoreMesh(core_axis_name="c", subcore_axis_name="s",
                               num_cores=1)


@functools.partial(
    pl.kernel,
    out_type=jax.ShapeDtypeStruct((D,), jnp.float32),
    mesh=_mesh,
    scratch_types=[
        pltpu.VMEM((2, 128), jnp.int32),
        pltpu.VMEM((2, 128), jnp.float32),
        pltpu.VMEM((WIN,), jnp.float32),
        pltpu.VMEM((L,), jnp.float32),
        pltpu.VMEM((D, CBLK), jnp.float32),
        pltpu.VMEM((D, TAILW), jnp.float32),
        pltpu.VMEM((D,), jnp.float32),
        pltpu.SemaphoreType.DMA,
        pltpu.SemaphoreType.DMA,
        pltpu.SemaphoreType.DMA,
    ],
    compiler_params=pltpu.CompilerParams(needs_layout_passes=False,
                                         skip_device_barrier=True),
)
def _interp_kernel(t_hbm, times_hbm, ctrl_hbm, out_hbm,
                   idx_s, smp_s, win_s, t_s, blkm_s, blkt_s, out_s,
                   semA, semB, semC):
    is_lead = (lax.axis_index("c") == 0) & (lax.axis_index("s") == 0)

    @pl.when(is_lead)
    def _():
        lane = lax.broadcasted_iota(jnp.int32, (L,), 0)
        zero16 = jnp.zeros((L,), jnp.int32)
        cp_t = pltpu.async_copy(t_hbm, t_s, semA)
        cp_tail = pltpu.async_copy(
            ctrl_hbm.at[:, pl.ds(TAIL, TAILW)], blkt_s, semC)

        for j in range(NSAMP // L):
            v = jnp.minimum((lane + j * L) * STRIDE, N - 1)
            idx_s[j // 8, pl.ds((j % 8) * L, L)] = v
        cps = [pltpu.async_copy(times_hbm.at[idx_s.at[r]], smp_s.at[r], semA)
               for r in range(2)]
        cp_t.wait()
        for cp in cps:
            cp.wait()

        tvec = t_s[...]

        def ffs(mask):
            return plsc.all_reduce_ffs(mask)[0]

        def pop(mask):
            return plsc.all_reduce_population_count(mask)[0]

        def sprobe(pos):
            g = jnp.minimum(pos, NSAMP - 1)
            return plsc.load_gather(smp_s, [g >> 7, g & 127])

        s1 = ffs(sprobe(lane * 16 + 15) > tvec) * 16
        coarse_cnt = jnp.minimum(s1 + pop(sprobe(s1 + lane) <= tvec), NSAMP)

        coarse = jnp.maximum(coarse_cnt - 1, 0)
        ws = pl.multiple_of(jnp.minimum(coarse * STRIDE, WMAX), 8)
        cp_w = pltpu.async_copy(times_hbm.at[pl.ds(ws, WIN)], win_s, semB)
        cp_w.wait()

        def wprobe(pos):
            return plsc.load_gather(win_s, [jnp.minimum(pos, WIN - 1)])

        w1 = ffs(wprobe(lane * 256 + 255) > tvec) * 256
        w2 = w1 + ffs(wprobe(w1 + lane * 16 + 15) > tvec) * 16
        cnt_in = jnp.minimum(w2 + pop(wprobe(w2 + lane) <= tvec), STRIDE)
        extra = pop(win_s[pl.ds(STRIDE, L)] <= tvec)
        count = ws + cnt_in + extra

        idx = jnp.clip(count - 1, 0, N - 2)
        cb = pl.multiple_of(jnp.minimum(idx & ~127, CMAX), 128)
        cp_c = pltpu.async_copy(ctrl_hbm.at[:, pl.ds(cb, CBLK)],
                                blkm_s, semB)

        t0v = plsc.load_gather(win_s, [zero16 + (idx - ws)])
        t1v = plsc.load_gather(win_s, [zero16 + (idx + 1 - ws)])
        alpha = jnp.clip((tvec - t0v) / (t1v - t0v + 1e-10), 0.0, 1.0)

        cp_c.wait()
        cp_tail.wait()
        for h in range(D // L):
            row = lane + h * L
            chunks = []
            for e in (idx, idx + 1):
                in_tail = e >= TAIL
                offm = zero16 + jnp.minimum(e - cb, CBLK - 1)
                offt = zero16 + jnp.clip(e - TAIL, 0, TAILW - 1)
                cm = plsc.load_gather(blkm_s, [row, offm])
                ct = plsc.load_gather(blkt_s, [row, offt])
                chunks.append(jnp.where(in_tail, ct, cm))
            c0, c1v = chunks
            out_s[pl.ds(h * L, L)] = c0 + alpha * (c1v - c0)
        pltpu.sync_copy(out_s, out_hbm)


def kernel(t, state, times, controls):
    del state
    t16 = jnp.full((L,), t, dtype=jnp.float32)
    return _interp_kernel(t16, times, controls.T)

# --- scband reference (transcript-rebuilt; emitter-appended) ---
"""Pipeline reference for scband-linear-interpolated-control-67216238182603 (READ-ONLY COPY).

The authoritative reference and input builder live on the scoring server;
editing this copy changes nothing except your own understanding.
"""

import jax, jax.numpy as jnp
import numpy as np

NUM_STEPS = 1000000
NUM_CONTROLS = 32
T_MAX = 100.0


def setup_inputs(seed: int = 0) -> dict:
    key = jax.random.key(seed)
    k1, k2, k3, k4 = jax.random.split(key, 4)
    # Module parameters (eqx.Module fields): sorted time grid + control table
    times = jnp.sort(jax.random.uniform(k1, (NUM_STEPS,), dtype=jnp.float32) * T_MAX)
    controls = jax.random.normal(k2, (NUM_STEPS, NUM_CONTROLS), dtype=jnp.float32)
    # Forward args
    t = jax.random.uniform(k3, (), dtype=jnp.float32) * T_MAX
    state = jax.random.normal(k4, (NUM_CONTROLS,), dtype=jnp.float32)
    return {"t": t, "state": state, "times": times, "controls": controls}


def reference(t, state, times, controls):
    # Faithful translation of LinearInterpolatedControl.__call__
    idx = jnp.searchsorted(times, t, side='right') - 1
    idx = jnp.clip(idx, 0, times.shape[0] - 2)
    t0 = times[idx]
    t1 = times[idx + 1]
    c0 = controls[idx]
    c1 = controls[idx + 1]
    alpha = (t - t0) / (t1 - t0 + 1e-10)
    alpha = jnp.clip(alpha, 0.0, 1.0)
    return c0 + alpha * (c1 - c0)

if __name__ == "__main__":
    import jax
    _d = setup_inputs()
    print(jax.jit(kernel)(*tuple(_d.values())))

</pallas_src>

<mosaic_0001>
#map = affine_map<(d0, d1) -> (0)>
#map1 = affine_map<(d0, d1) -> (0, 0)>
module attributes {stable_mosaic.version = 14 : i64} {
  func.func @_interp_kernel(%arg0: i32, %arg1: i32, %arg2: memref<16xf32, #tpu.memory_space<hbm>>, %arg3: memref<1000000xf32, #tpu.memory_space<hbm>>, %arg4: memref<32x1000000xf32, #tpu.memory_space<hbm>>, %arg5: memref<32xf32, #tpu.memory_space<hbm>>, %arg6: memref<2x128xi32, #tpu.memory_space<vmem>>, %arg7: memref<2x128xf32, #tpu.memory_space<vmem>>, %arg8: memref<4112xf32, #tpu.memory_space<vmem>>, %arg9: memref<16xf32, #tpu.memory_space<vmem>>, %arg10: memref<32x256xf32, #tpu.memory_space<vmem>>, %arg11: memref<32x64xf32, #tpu.memory_space<vmem>>, %arg12: memref<32xf32, #tpu.memory_space<vmem>>, %arg13: memref<!tpu.dma_semaphore, #tpu.memory_space<semaphore_mem>>, %arg14: memref<!tpu.dma_semaphore, #tpu.memory_space<semaphore_mem>>, %arg15: memref<!tpu.dma_semaphore, #tpu.memory_space<semaphore_mem>>) attributes {dimension_semantics = [#tpu.dimension_semantics<core_parallel>, #tpu.dimension_semantics<subcore_parallel>], iteration_bounds = array<i64: 1, 16>, scalar_prefetch = 0 : i64, scratch_operands = 10 : i64, tpu.core_type = #tpu.core_type<sc_vector_subcore>, window_params = [{transform_indices = #map}, {transform_indices = #map}, {transform_indices = #map1}, {transform_indices = #map}]} {
    %eq3A = arith.constant 0 : i32
    %eq3A_0 = arith.cmpi eq, %arg0, %eq3A : i32
    %eq3A_1 = arith.constant 0 : i32
    %eq3A_2 = arith.cmpi eq, %arg1, %eq3A_1 : i32
    %and3A = arith.andi %eq3A_0, %eq3A_2 : i1
    %convert_element_type3A = arith.extui %and3A : i1 to i32
    %cond3A = arith.constant 0 : i32
    %cond3A_3 = arith.cmpi ne, %convert_element_type3A, %cond3A : i32
    scf.if %cond3A_3 {
      %iota3A = tpu.iota {dimensions = array<i32: 0>} : vector<16xi32>
      %broadcast_in_dim3A = arith.constant 0 : i32
      %broadcast_in_dim3A_4 = vector.broadcast %broadcast_in_dim3A : i32 to vector<16xi32>
      tpu.enqueue_dma source(%arg2 : memref<16xf32, #tpu.memory_space<hbm>>) target(%arg9 : memref<16xf32, #tpu.memory_space<vmem>>) target_semaphore(%arg13 : memref<!tpu.dma_semaphore, #tpu.memory_space<semaphore_mem>>)
      %dma_start3A = arith.constant 0 : i32
      %dma_start3A_5 = arith.constant 999936 : i32
      %dma_start3A_6 = tpu.memref_slice %arg4[%dma_start3A, %dma_start3A_5] : memref<32x1000000xf32, #tpu.memory_space<hbm>> -> memref<32x64xf32, #tpu.memory_space<hbm>>
      %dma_start3A_7 = arith.constant 0 : i32
      %dma_start3A_8 = arith.constant 999936 : i32
      %dma_start3A_9 = tpu.memref_slice %arg4[%dma_start3A_7, %dma_start3A_8] : memref<32x1000000xf32, #tpu.memory_space<hbm>> -> memref<32x64xf32, #tpu.memory_space<hbm>>
      tpu.enqueue_dma source(%dma_start3A_9 : memref<32x64xf32, #tpu.memory_space<hbm>>) target(%arg11 : memref<32x64xf32, #tpu.memory_space<vmem>>) target_semaphore(%arg15 : memref<!tpu.dma_semaphore, #tpu.memory_space<semaphore_mem>>)
      %add3A = arith.constant 0 : i32
      %add3A_10 = vector.broadcast %add3A : i32 to vector<16xi32>
      %add3A_11 = arith.addi %iota3A, %add3A_10 : vector<16xi32>
      %mul3A = arith.constant 4096 : i32
      %mul3A_12 = vector.broadcast %mul3A : i32 to vector<16xi32>
      %mul3A_13 = arith.muli %add3A_11, %mul3A_12 : vector<16xi32>
      %min3A = arith.constant 999999 : i32
      %min3A_14 = vector.broadcast %min3A : i32 to vector<16xi32>
      %min3A_15 = arith.minsi %mul3A_13, %min3A_14 : vector<16xi32>
      %swap3A = arith.constant 0 : i32
      %swap3A_16 = arith.index_cast %swap3A : i32 to index
      %swap3A_17 = arith.constant 0 : index
      %swap3A_18 = tpu.vector_load %arg6[%swap3A_16, %swap3A_17] {strides = array<i32>} : memref<2x128xi32, #tpu.memory_space<vmem>>, vector<16xi32>,
      tpu.vector_store %arg6[%swap3A_16, %swap3A_17], %min3A_15 {strides = array<i32>} : memref<2x128xi32, #tpu.memory_space<vmem>>, vector<16xi32>,
      %add3A_19 = arith.constant 16 : i32
      %add3A_20 = vector.broadcast %add3A_19 : i32 to vector<16xi32>
      %add3A_21 = arith.addi %iota3A, %add3A_20 : vector<16xi32>
      %mul3A_22 = arith.constant 4096 : i32
      %mul3A_23 = vector.broadcast %mul3A_22 : i32 to vector<16xi32>
      %mul3A_24 = arith.muli %add3A_21, %mul3A_23 : vector<16xi32>
      %min3A_25 = arith.constant 999999 : i32
      %min3A_26 = vector.broadcast %min3A_25 : i32 to vector<16xi32>
      %min3A_27 = arith.minsi %mul3A_24, %min3A_26 : vector<16xi32>
      %swap3A_28 = arith.constant 0 : i32
      %swap3A_29 = arith.index_cast %swap3A_28 : i32 to index
      %swap3A_30 = arith.constant 16 : index
      %swap3A_31 = tpu.vector_load %arg6[%swap3A_29, %swap3A_30] {strides = array<i32>} : memref<2x128xi32, #tpu.memory_space<vmem>>, vector<16xi32>,
      tpu.vector_store %arg6[%swap3A_29, %swap3A_30], %min3A_27 {strides = array<i32>} : memref<2x128xi32, #tpu.memory_space<vmem>>, vector<16xi32>,
      %add3A_32 = arith.constant 32 : i32
      %add3A_33 = vector.broadcast %add3A_32 : i32 to vector<16xi32>
      %add3A_34 = arith.addi %iota3A, %add3A_33 : vector<16xi32>
      %mul3A_35 = arith.constant 4096 : i32
      %mul3A_36 = vector.broadcast %mul3A_35 : i32 to vector<16xi32>
      %mul3A_37 = arith.muli %add3A_34, %mul3A_36 : vector<16xi32>
      %min3A_38 = arith.constant 999999 : i32
      %min3A_39 = vector.broadcast %min3A_38 : i32 to vector<16xi32>
      %min3A_40 = arith.minsi %mul3A_37, %min3A_39 : vector<16xi32>
      %swap3A_41 = arith.constant 0 : i32
      %swap3A_42 = arith.index_cast %swap3A_41 : i32 to index
      %swap3A_43 = arith.constant 32 : index
      %swap3A_44 = tpu.vector_load %arg6[%swap3A_42, %swap3A_43] {strides = array<i32>} : memref<2x128xi32, #tpu.memory_space<vmem>>, vector<16xi32>,
      tpu.vector_store %arg6[%swap3A_42, %swap3A_43], %min3A_40 {strides = array<i32>} : memref<2x128xi32, #tpu.memory_space<vmem>>, vector<16xi32>,
      %add3A_45 = arith.constant 48 : i32
      %add3A_46 = vector.broadcast %add3A_45 : i32 to vector<16xi32>
      %add3A_47 = arith.addi %iota3A, %add3A_46 : vector<16xi32>
      %mul3A_48 = arith.constant 4096 : i32
      %mul3A_49 = vector.broadcast %mul3A_48 : i32 to vector<16xi32>
      %mul3A_50 = arith.muli %add3A_47, %mul3A_49 : vector<16xi32>
      %min3A_51 = arith.constant 999999 : i32
      %min3A_52 = vector.broadcast %min3A_51 : i32 to vector<16xi32>
      %min3A_53 = arith.minsi %mul3A_50, %min3A_52 : vector<16xi32>
      %swap3A_54 = arith.constant 0 : i32
      %swap3A_55 = arith.index_cast %swap3A_54 : i32 to index
      %swap3A_56 = arith.constant 48 : index
      %swap3A_57 = tpu.vector_load %arg6[%swap3A_55, %swap3A_56] {strides = array<i32>} : memref<2x128xi32, #tpu.memory_space<vmem>>, vector<16xi32>,
      tpu.vector_store %arg6[%swap3A_55, %swap3A_56], %min3A_53 {strides = array<i32>} : memref<2x128xi32, #tpu.memory_space<vmem>>, vector<16xi32>,
      %add3A_58 = arith.constant 64 : i32
      %add3A_59 = vector.broadcast %add3A_58 : i32 to vector<16xi32>
      %add3A_60 = arith.addi %iota3A, %add3A_59 : vector<16xi32>
      %mul3A_61 = arith.constant 4096 : i32
      %mul3A_62 = vector.broadcast %mul3A_61 : i32 to vector<16xi32>
      %mul3A_63 = arith.muli %add3A_60, %mul3A_62 : vector<16xi32>
      %min3A_64 = arith.constant 999999 : i32
      %min3A_65 = vector.broadcast %min3A_64 : i32 to vector<16xi32>
      %min3A_66 = arith.minsi %mul3A_63, %min3A_65 : vector<16xi32>
      %swap3A_67 = arith.constant 0 : i32
      %swap3A_68 = arith.index_cast %swap3A_67 : i32 to index
      %swap3A_69 = arith.constant 64 : index
      %swap3A_70 = tpu.vector_load %arg6[%swap3A_68, %swap3A_69] {strides = array<i32>} : memref<2x128xi32, #tpu.memory_space<vmem>>, vector<16xi32>,
      tpu.vector_store %arg6[%swap3A_68, %swap3A_69], %min3A_66 {strides = array<i32>} : memref<2x128xi32, #tpu.memory_space<vmem>>, vector<16xi32>,
      %add3A_71 = arith.constant 80 : i32
      %add3A_72 = vector.broadcast %add3A_71 : i32 to vector<16xi32>
      %add3A_73 = arith.addi %iota3A, %add3A_72 : vector<16xi32>
      %mul3A_74 = arith.constant 4096 : i32
      %mul3A_75 = vector.broadcast %mul3A_74 : i32 to vector<16xi32>
      %mul3A_76 = arith.muli %add3A_73, %mul3A_75 : vector<16xi32>
      %min3A_77 = arith.constant 999999 : i32
      %min3A_78 = vector.broadcast %min3A_77 : i32 to vector<16xi32>
      %min3A_79 = arith.minsi %mul3A_76, %min3A_78 : vector<16xi32>
      %swap3A_80 = arith.constant 0 : i32
      %swap3A_81 = arith.index_cast %swap3A_80 : i32 to index
      %swap3A_82 = arith.constant 80 : index
      %swap3A_83 = tpu.vector_load %arg6[%swap3A_81, %swap3A_82] {strides = array<i32>} : memref<2x128xi32, #tpu.memory_space<vmem>>, vector<16xi32>,
      tpu.vector_store %arg6[%swap3A_81, %swap3A_82], %min3A_79 {strides = array<i32>} : memref<2x128xi32, #tpu.memory_space<vmem>>, vector<16xi32>,
      %add3A_84 = arith.constant 96 : i32
      %add3A_85 = vector.broadcast %add3A_84 : i32 to vector<16xi32>
      %add3A_86 = arith.addi %iota3A, %add3A_85 : vector<16xi32>
      %mul3A_87 = arith.constant 4096 : i32
      %mul3A_88 = vector.broadcast %mul3A_87 : i32 to vector<16xi32>
      %mul3A_89 = arith.muli %add3A_86, %mul3A_88 : vector<16xi32>
      %min3A_90 = arith.constant 999999 : i32
      %min3A_91 = vector.broadcast %min3A_90 : i32 to vector<16xi32>
      %min3A_92 = arith.minsi %mul3A_89, %min3A_91 : vector<16xi32>
      %swap3A_93 = arith.constant 0 : i32
      %swap3A_94 = arith.index_cast %swap3A_93 : i32 to index
      %swap3A_95 = arith.constant 96 : index
      %swap3A_96 = tpu.vector_load %arg6[%swap3A_94, %swap3A_95] {strides = array<i32>} : memref<2x128xi32, #tpu.memory_space<vmem>>, vector<16xi32>,
      tpu.vector_store %arg6[%swap3A_94, %swap3A_95], %min3A_92 {strides = array<i32>} : memref<2x128xi32, #tpu.memory_space<vmem>>, vector<16xi32>,
      %add3A_97 = arith.constant 112 : i32
      %add3A_98 = vector.broadcast %add3A_97 : i32 to vector<16xi32>
      %add3A_99 = arith.addi %iota3A, %add3A_98 : vector<16xi32>
      %mul3A_100 = arith.constant 4096 : i32
      %mul3A_101 = vector.broadcast %mul3A_100 : i32 to vector<16xi32>
      %mul3A_102 = arith.muli %add3A_99, %mul3A_101 : vector<16xi32>
      %min3A_103 = arith.constant 999999 : i32
      %min3A_104 = vector.broadcast %min3A_103 : i32 to vector<16xi32>
      %min3A_105 = arith.minsi %mul3A_102, %min3A_104 : vector<16xi32>
      %swap3A_106 = arith.constant 0 : i32
      %swap3A_107 = arith.index_cast %swap3A_106 : i32 to index
      %swap3A_108 = arith.constant 112 : index
      %swap3A_109 = tpu.vector_load %arg6[%swap3A_107, %swap3A_108] {strides = array<i32>} : memref<2x128xi32, #tpu.memory_space<vmem>>, vector<16xi32>,
      tpu.vector_store %arg6[%swap3A_107, %swap3A_108], %min3A_105 {strides = array<i32>} : memref<2x128xi32, #tpu.memory_space<vmem>>, vector<16xi32>,
      %add3A_110 = arith.constant 128 : i32
      %add3A_111 = vector.broadcast %add3A_110 : i32 to vector<16xi32>
      %add3A_112 = arith.addi %iota3A, %add3A_111 : vector<16xi32>
      %mul3A_113 = arith.constant 4096 : i32
      %mul3A_114 = vector.broadcast %mul3A_113 : i32 to vector<16xi32>
      %mul3A_115 = arith.muli %add3A_112, %mul3A_114 : vector<16xi32>
      %min3A_116 = arith.constant 999999 : i32
      %min3A_117 = vector.broadcast %min3A_116 : i32 to vector<16xi32>
      %min3A_118 = arith.minsi %mul3A_115, %min3A_117 : vector<16xi32>
      %swap3A_119 = arith.constant 1 : i32
      %swap3A_120 = arith.index_cast %swap3A_119 : i32 to index
      %swap3A_121 = arith.constant 0 : index
      %swap3A_122 = tpu.vector_load %arg6[%swap3A_120, %swap3A_121] {strides = array<i32>} : memref<2x128xi32, #tpu.memory_space<vmem>>, vector<16xi32>,
      tpu.vector_store %arg6[%swap3A_120, %swap3A_121], %min3A_118 {strides = array<i32>} : memref<2x128xi32, #tpu.memory_space<vmem>>, vector<16xi32>,
      %add3A_123 = arith.constant 144 : i32
      %add3A_124 = vector.broadcast %add3A_123 : i32 to vector<16xi32>
      %add3A_125 = arith.addi %iota3A, %add3A_124 : vector<16xi32>
      %mul3A_126 = arith.constant 4096 : i32
      %mul3A_127 = vector.broadcast %mul3A_126 : i32 to vector<16xi32>
      %mul3A_128 = arith.muli %add3A_125, %mul3A_127 : vector<16xi32>
      %min3A_129 = arith.constant 999999 : i32
      %min3A_130 = vector.broadcast %min3A_129 : i32 to vector<16xi32>
      %min3A_131 = arith.minsi %mul3A_128, %min3A_130 : vector<16xi32>
      %swap3A_132 = arith.constant 1 : i32
      %swap3A_133 = arith.index_cast %swap3A_132 : i32 to index
      %swap3A_134 = arith.constant 16 : index
      %swap3A_135 = tpu.vector_load %arg6[%swap3A_133, %swap3A_134] {strides = array<i32>} : memref<2x128xi32, #tpu.memory_space<vmem>>, vector<16xi32>,
      tpu.vector_store %arg6[%swap3A_133, %swap3A_134], %min3A_131 {strides = array<i32>} : memref<2x128xi32, #tpu.memory_space<vmem>>, vector<16xi32>,
      %add3A_136 = arith.constant 160 : i32
      %add3A_137 = vector.broadcast %add3A_136 : i32 to vector<16xi32>
      %add3A_138 = arith.addi %iota3A, %add3A_137 : vector<16xi32>
      %mul3A_139 = arith.constant 4096 : i32
      %mul3A_140 = vector.broadcast %mul3A_139 : i32 to vector<16xi32>
      %mul3A_141 = arith.muli %add3A_138, %mul3A_140 : vector<16xi32>
      %min3A_142 = arith.constant 999999 : i32
      %min3A_143 = vector.broadcast %min3A_142 : i32 to vector<16xi32>
      %min3A_144 = arith.minsi %mul3A_141, %min3A_143 : vector<16xi32>
      %swap3A_145 = arith.constant 1 : i32
      %swap3A_146 = arith.index_cast %swap3A_145 : i32 to index
      %swap3A_147 = arith.constant 32 : index
      %swap3A_148 = tpu.vector_load %arg6[%swap3A_146, %swap3A_147] {strides = array<i32>} : memref<2x128xi32, #tpu.memory_space<vmem>>, vector<16xi32>,
      tpu.vector_store %arg6[%swap3A_146, %swap3A_147], %min3A_144 {strides = array<i32>} : memref<2x128xi32, #tpu.memory_space<vmem>>, vector<16xi32>,
      %add3A_149 = arith.constant 176 : i32
      %add3A_150 = vector.broadcast %add3A_149 : i32 to vector<16xi32>
      %add3A_151 = arith.addi %iota3A, %add3A_150 : vector<16xi32>
      %mul3A_152 = arith.constant 4096 : i32
      %mul3A_153 = vector.broadcast %mul3A_152 : i32 to vector<16xi32>
      %mul3A_154 = arith.muli %add3A_151, %mul3A_153 : vector<16xi32>
      %min3A_155 = arith.constant 999999 : i32
      %min3A_156 = vector.broadcast %min3A_155 : i32 to vector<16xi32>
      %min3A_157 = arith.minsi %mul3A_154, %min3A_156 : vector<16xi32>
      %swap3A_158 = arith.constant 1 : i32
      %swap3A_159 = arith.index_cast %swap3A_158 : i32 to index
      %swap3A_160 = arith.constant 48 : index
      %swap3A_161 = tpu.vector_load %arg6[%swap3A_159, %swap3A_160] {strides = array<i32>} : memref<2x128xi32, #tpu.memory_space<vmem>>, vector<16xi32>,
      tpu.vector_store %arg6[%swap3A_159, %swap3A_160], %min3A_157 {strides = array<i32>} : memref<2x128xi32, #tpu.memory_space<vmem>>, vector<16xi32>,
      %add3A_162 = arith.constant 192 : i32
      %add3A_163 = vector.broadcast %add3A_162 : i32 to vector<16xi32>
      %add3A_164 = arith.addi %iota3A, %add3A_163 : vector<16xi32>
      %mul3A_165 = arith.constant 4096 : i32
      %mul3A_166 = vector.broadcast %mul3A_165 : i32 to vector<16xi32>
      %mul3A_167 = arith.muli %add3A_164, %mul3A_166 : vector<16xi32>
      %min3A_168 = arith.constant 999999 : i32
      %min3A_169 = vector.broadcast %min3A_168 : i32 to vector<16xi32>
      %min3A_170 = arith.minsi %mul3A_167, %min3A_169 : vector<16xi32>
      %swap3A_171 = arith.constant 1 : i32
      %swap3A_172 = arith.index_cast %swap3A_171 : i32 to index
      %swap3A_173 = arith.constant 64 : index
      %swap3A_174 = tpu.vector_load %arg6[%swap3A_172, %swap3A_173] {strides = array<i32>} : memref<2x128xi32, #tpu.memory_space<vmem>>, vector<16xi32>,
      tpu.vector_store %arg6[%swap3A_172, %swap3A_173], %min3A_170 {strides = array<i32>} : memref<2x128xi32, #tpu.memory_space<vmem>>, vector<16xi32>,
      %add3A_175 = arith.constant 208 : i32
      %add3A_176 = vector.broadcast %add3A_175 : i32 to vector<16xi32>
      %add3A_177 = arith.addi %iota3A, %add3A_176 : vector<16xi32>
      %mul3A_178 = arith.constant 4096 : i32
      %mul3A_179 = vector.broadcast %mul3A_178 : i32 to vector<16xi32>
      %mul3A_180 = arith.muli %add3A_177, %mul3A_179 : vector<16xi32>
      %min3A_181 = arith.constant 999999 : i32
      %min3A_182 = vector.broadcast %min3A_181 : i32 to vector<16xi32>
      %min3A_183 = arith.minsi %mul3A_180, %min3A_182 : vector<16xi32>
      %swap3A_184 = arith.constant 1 : i32
      %swap3A_185 = arith.index_cast %swap3A_184 : i32 to index
      %swap3A_186 = arith.constant 80 : index
      %swap3A_187 = tpu.vector_load %arg6[%swap3A_185, %swap3A_186] {strides = array<i32>} : memref<2x128xi32, #tpu.memory_space<vmem>>, vector<16xi32>,
      tpu.vector_store %arg6[%swap3A_185, %swap3A_186], %min3A_183 {strides = array<i32>} : memref<2x128xi32, #tpu.memory_space<vmem>>, vector<16xi32>,
      %add3A_188 = arith.constant 224 : i32
      %add3A_189 = vector.broadcast %add3A_188 : i32 to vector<16xi32>
      %add3A_190 = arith.addi %iota3A, %add3A_189 : vector<16xi32>
      %mul3A_191 = arith.constant 4096 : i32
      %mul3A_192 = vector.broadcast %mul3A_191 : i32 to vector<16xi32>
      %mul3A_193 = arith.muli %add3A_190, %mul3A_192 : vector<16xi32>
      %min3A_194 = arith.constant 999999 : i32
      %min3A_195 = vector.broadcast %min3A_194 : i32 to vector<16xi32>
      %min3A_196 = arith.minsi %mul3A_193, %min3A_195 : vector<16xi32>
      %swap3A_197 = arith.constant 1 : i32
      %swap3A_198 = arith.index_cast %swap3A_197 : i32 to index
      %swap3A_199 = arith.constant 96 : index
      %swap3A_200 = tpu.vector_load %arg6[%swap3A_198, %swap3A_199] {strides = array<i32>} : memref<2x128xi32, #tpu.memory_space<vmem>>, vector<16xi32>,
      tpu.vector_store %arg6[%swap3A_198, %swap3A_199], %min3A_196 {strides = array<i32>} : memref<2x128xi32, #tpu.memory_space<vmem>>, vector<16xi32>,
      %add3A_201 = arith.constant 240 : i32
      %add3A_202 = vector.broadcast %add3A_201 : i32 to vector<16xi32>
      %add3A_203 = arith.addi %iota3A, %add3A_202 : vector<16xi32>
      %mul3A_204 = arith.constant 4096 : i32
      %mul3A_205 = vector.broadcast %mul3A_204 : i32 to vector<16xi32>
      %mul3A_206 = arith.muli %add3A_203, %mul3A_205 : vector<16xi32>
      %min3A_207 = arith.constant 999999 : i32
      %min3A_208 = vector.broadcast %min3A_207 : i32 to vector<16xi32>
      %min3A_209 = arith.minsi %mul3A_206, %min3A_208 : vector<16xi32>
      %swap3A_210 = arith.constant 1 : i32
      %swap3A_211 = arith.index_cast %swap3A_210 : i32 to index
      %swap3A_212 = arith.constant 112 : index
      %swap3A_213 = tpu.vector_load %arg6[%swap3A_211, %swap3A_212] {strides = array<i32>} : memref<2x128xi32, #tpu.memory_space<vmem>>, vector<16xi32>,
      tpu.vector_store %arg6[%swap3A_211, %swap3A_212], %min3A_209 {strides = array<i32>} : memref<2x128xi32, #tpu.memory_space<vmem>>, vector<16xi32>,
      %dma_start3A_214 = arith.constant 0 : i32
      %dma_start3A_215 = arith.constant 0 : i32
      %dma_start3A_216 = arith.constant 0 : i32
      %dma_start3A_217 = tpu.memref_slice %arg7[%dma_start3A_215, %dma_start3A_216] : memref<2x128xf32, #tpu.memory_space<vmem>> -> memref<1x128xf32, #tpu.memory_space<vmem>>
      %dma_start3A_218 = tpu.memref_squeeze %dma_start3A_217 : memref<1x128xf32, #tpu.memory_space<vmem>> -> memref<128xf32, #tpu.memory_space<vmem>>
      %dma_start3A_219 = arith.constant 0 : i32
      %dma_start3A_220 = tpu.memref_slice %arg6[%dma_start3A_214, %dma_start3A_219] : memref<2x128xi32, #tpu.memory_space<vmem>> -> memref<1x128xi32, #tpu.memory_space<vmem>>
      %dma_start3A_221 = tpu.memref_squeeze %dma_start3A_220 : memref<1x128xi32, #tpu.memory_space<vmem>> -> memref<128xi32, #tpu.memory_space<vmem>>
      %dma_start3A_222 = arith.constant 0 : i32
      %dma_start3A_223 = tpu.memref_slice %arg3[%dma_start3A_222] : memref<1000000xf32, #tpu.memory_space<hbm>> -> memref<1000000xf32, #tpu.memory_space<hbm>>
      tpu.enqueue_indirect_dma source(%dma_start3A_223 : memref<1000000xf32, #tpu.memory_space<hbm>>) target(%dma_start3A_218 : memref<128xf32, #tpu.memory_space<vmem>>) offsets(%dma_start3A_221 : memref<128xi32, #tpu.memory_space<vmem>>) semaphore(%arg13 : memref<!tpu.dma_semaphore, #tpu.memory_space<semaphore_mem>>)
      %dma_start3A_224 = arith.constant 1 : i32
      %dma_start3A_225 = arith.constant 1 : i32
      %dma_start3A_226 = arith.constant 0 : i32
      %dma_start3A_227 = tpu.memref_slice %arg7[%dma_start3A_225, %dma_start3A_226] : memref<2x128xf32, #tpu.memory_space<vmem>> -> memref<1x128xf32, #tpu.memory_space<vmem>>
      %dma_start3A_228 = tpu.memref_squeeze %dma_start3A_227 : memref<1x128xf32, #tpu.memory_space<vmem>> -> memref<128xf32, #tpu.memory_space<vmem>>
      %dma_start3A_229 = arith.constant 0 : i32
      %dma_start3A_230 = tpu.memref_slice %arg6[%dma_start3A_224, %dma_start3A_229] : memref<2x128xi32, #tpu.memory_space<vmem>> -> memref<1x128xi32, #tpu.memory_space<vmem>>
      %dma_start3A_231 = tpu.memref_squeeze %dma_start3A_230 : memref<1x128xi32, #tpu.memory_space<vmem>> -> memref<128xi32, #tpu.memory_space<vmem>>
      %dma_start3A_232 = arith.constant 0 : i32
      %dma_start3A_233 = tpu.memref_slice %arg3[%dma_start3A_232] : memref<1000000xf32, #tpu.memory_space<hbm>> -> memref<1000000xf32, #tpu.memory_space<hbm>>
      tpu.enqueue_indirect_dma source(%dma_start3A_233 : memref<1000000xf32, #tpu.memory_space<hbm>>) target(%dma_start3A_228 : memref<128xf32, #tpu.memory_space<vmem>>) offsets(%dma_start3A_231 : memref<128xi32, #tpu.memory_space<vmem>>) semaphore(%arg13 : memref<!tpu.dma_semaphore, #tpu.memory_space<semaphore_mem>>)
      tpu.wait_dma2 semaphore(%arg13 : memref<!tpu.dma_semaphore, #tpu.memory_space<semaphore_mem>>) src(%arg2 : memref<16xf32, #tpu.memory_space<hbm>>) dst(%arg9 : memref<16xf32, #tpu.memory_space<vmem>>)
      %dma_wait3A = arith.constant 0 : i32
      %dma_wait3A_234 = arith.constant 0 : i32
      %dma_wait3A_235 = arith.constant 0 : i32
      %dma_wait3A_236 = tpu.memref_slice %arg7[%dma_wait3A_234, %dma_wait3A_235] : memref<2x128xf32, #tpu.memory_space<vmem>> -> memref<1x128xf32, #tpu.memory_space<vmem>>
      %dma_wait3A_237 = tpu.memref_squeeze %dma_wait3A_236 : memref<1x128xf32, #tpu.memory_space<vmem>> -> memref<128xf32, #tpu.memory_space<vmem>>
      %dma_wait3A_238 = arith.constant 0 : i32
      %dma_wait3A_239 = tpu.memref_slice %arg6[%dma_wait3A, %dma_wait3A_238] : memref<2x128xi32, #tpu.memory_space<vmem>> -> memref<1x128xi32, #tpu.memory_space<vmem>>
      %dma_wait3A_240 = tpu.memref_squeeze %dma_wait3A_239 : memref<1x128xi32, #tpu.memory_space<vmem>> -> memref<128xi32, #tpu.memory_space<vmem>>
      %dma_wait3A_241 = arith.constant 0 : i32
      %dma_wait3A_242 = tpu.memref_slice %arg3[%dma_wait3A_241] : memref<1000000xf32, #tpu.memory_space<hbm>> -> memref<1000000xf32, #tpu.memory_space<hbm>>
      tpu.wait_indirect_dma semaphore(%arg13 : memref<!tpu.dma_semaphore, #tpu.memory_space<semaphore_mem>>) src(%dma_wait3A_242 : memref<1000000xf32, #tpu.memory_space<hbm>>) dst(%dma_wait3A_237 : memref<128xf32, #tpu.memory_space<vmem>>)
      %dma_wait3A_243 = arith.constant 1 : i32
      %dma_wait3A_244 = arith.constant 1 : i32
      %dma_wait3A_245 = arith.constant 0 : i32
      %dma_wait3A_246 = tpu.memref_slice %arg7[%dma_wait3A_244, %dma_wait3A_245] : memref<2x128xf32, #tpu.memory_space<vmem>> -> memref<1x128xf32, #tpu.memory_space<vmem>>
      %dma_wait3A_247 = tpu.memref_squeeze %dma_wait3A_246 : memref<1x128xf32, #tpu.memory_space<vmem>> -> memref<128xf32, #tpu.memory_space<vmem>>
      %dma_wait3A_248 = arith.constant 0 : i32
      %dma_wait3A_249 = tpu.memref_slice %arg6[%dma_wait3A_243, %dma_wait3A_248] : memref<2x128xi32, #tpu.memory_space<vmem>> -> memref<1x128xi32, #tpu.memory_space<vmem>>
      %dma_wait3A_250 = tpu.memref_squeeze %dma_wait3A_249 : memref<1x128xi32, #tpu.memory_space<vmem>> -> memref<128xi32, #tpu.memory_space<vmem>>
      %dma_wait3A_251 = arith.constant 0 : i32
      %dma_wait3A_252 = tpu.memref_slice %arg3[%dma_wait3A_251] : memref<1000000xf32, #tpu.memory_space<hbm>> -> memref<1000000xf32, #tpu.memory_space<hbm>>
      tpu.wait_indirect_dma semaphore(%arg13 : memref<!tpu.dma_semaphore, #tpu.memory_space<semaphore_mem>>) src(%dma_wait3A_252 : memref<1000000xf32, #tpu.memory_space<hbm>>) dst(%dma_wait3A_247 : memref<128xf32, #tpu.memory_space<vmem>>)
      %get3A = arith.constant 0 : index
      %get3A_253 = tpu.vector_load %arg9[%get3A] {strides = array<i32>} : memref<16xf32, #tpu.memory_space<vmem>>, vector<16xf32>,
      %mul3A_254 = arith.constant 16 : i32
      %mul3A_255 = vector.broadcast %mul3A_254 : i32 to vector<16xi32>
      %mul3A_256 = arith.muli %iota3A, %mul3A_255 : vector<16xi32>
      %add3A_257 = arith.constant 15 : i32
      %add3A_258 = vector.broadcast %add3A_257 : i32 to vector<16xi32>
      %add3A_259 = arith.addi %mul3A_256, %add3A_258 : vector<16xi32>
      %min3A_260 = arith.constant 255 : i32
      %min3A_261 = vector.broadcast %min3A_260 : i32 to vector<16xi32>
      %min3A_262 = arith.minsi %add3A_259, %min3A_261 : vector<16xi32>
      %shift_right_arithmetic3A = arith.constant 7 : i32
      %shift_right_arithmetic3A_263 = vector.broadcast %shift_right_arithmetic3A : i32 to vector<16xi32>
      %shift_right_arithmetic3A_264 = arith.shrsi %min3A_262, %shift_right_arithmetic3A_263 : vector<16xi32>
      %and3A_265 = arith.constant 127 : i32
      %and3A_266 = vector.broadcast %and3A_265 : i32 to vector<16xi32>
      %and3A_267 = arith.andi %min3A_262, %and3A_266 : vector<16xi32>
      %gather3A = tpu.vector_load_idx %arg7[%shift_right_arithmetic3A_264, %and3A_267] : memref<2x128xf32, #tpu.memory_space<vmem>>[vector<16xi32>, vector<16xi32>], vector<16xf32>,
      %gt3A = arith.cmpf ogt, %gather3A, %get3A_253 : vector<16xf32>
      %all_reduce_ffs3A = tpu.all_reduce %gt3A {dim = 0 : i64, kind = #tpu.reduction_kind<find_first_set>} : vector<16xi1> -> vector<16xi32>
      %slice3A = vector.extract_strided_slice %all_reduce_ffs3A {offsets = [0], sizes = [1], strides = [1]} : vector<16xi32> to vector<1xi32>
      %squeeze3A = vector.extract %slice3A[0] : i32 from vector<1xi32>
      %mul3A_268 = arith.constant 16 : i32
      %mul3A_269 = arith.muli %squeeze3A, %mul3A_268 : i32
      %add3A_270 = vector.broadcast %mul3A_269 : i32 to vector<16xi32>
      %add3A_271 = arith.addi %add3A_270, %iota3A : vector<16xi32>
      %min3A_272 = arith.constant 255 : i32
      %min3A_273 = vector.broadcast %min3A_272 : i32 to vector<16xi32>
      %min3A_274 = arith.minsi %add3A_271, %min3A_273 : vector<16xi32>
      %shift_right_arithmetic3A_275 = arith.constant 7 : i32
      %shift_right_arithmetic3A_276 = vector.broadcast %shift_right_arithmetic3A_275 : i32 to vector<16xi32>
      %shift_right_arithmetic3A_277 = arith.shrsi %min3A_274, %shift_right_arithmetic3A_276 : vector<16xi32>
      %and3A_278 = arith.constant 127 : i32
      %and3A_279 = vector.broadcast %and3A_278 : i32 to vector<16xi32>
      %and3A_280 = arith.andi %min3A_274, %and3A_279 : vector<16xi32>
      %gather3A_281 = tpu.vector_load_idx %arg7[%shift_right_arithmetic3A_277, %and3A_280] : memref<2x128xf32, #tpu.memory_space<vmem>>[vector<16xi32>, vector<16xi32>], vector<16xf32>,
      %le3A = arith.cmpf ole, %gather3A_281, %get3A_253 : vector<16xf32>
      %all_reduce_population_count3A = tpu.all_reduce %le3A {dim = 0 : i64, kind = #tpu.reduction_kind<sum>} : vector<16xi1> -> vector<16xi32>
      %slice3A_282 = vector.extract_strided_slice %all_reduce_population_count3A {offsets = [0], sizes = [1], strides = [1]} : vector<16xi32> to vector<1xi32>
      %squeeze3A_283 = vector.extract %slice3A_282[0] : i32 from vector<1xi32>
      %add3A_284 = arith.addi %mul3A_269, %squeeze3A_283 : i32
      %min3A_285 = arith.constant 256 : i32
      %min3A_286 = arith.minsi %add3A_284, %min3A_285 : i32
      %sub3A = arith.constant 1 : i32
      %sub3A_287 = arith.subi %min3A_286, %sub3A : i32
      %max3A = arith.constant 0 : i32
      %max3A_288 = arith.maxsi %sub3A_287, %max3A : i32
      %mul3A_289 = arith.constant 4096 : i32
      %mul3A_290 = arith.muli %max3A_288, %mul3A_289 : i32
      %min3A_291 = arith.constant 995888 : i32
      %min3A_292 = arith.minsi %mul3A_290, %min3A_291 : i32
      %multiple_of3A = tpu.assume_multiple %min3A_292, 8 : i32
      %dma_start3A_293 = tpu.memref_slice %arg3[%multiple_of3A] : memref<1000000xf32, #tpu.memory_space<hbm>> -> memref<4112xf32, #tpu.memory_space<hbm>>
      %dma_start3A_294 = tpu.memref_slice %arg3[%multiple_of3A] : memref<1000000xf32, #tpu.memory_space<hbm>> -> memref<4112xf32, #tpu.memory_space<hbm>>
      tpu.enqueue_dma source(%dma_start3A_294 : memref<4112xf32, #tpu.memory_space<hbm>>) target(%arg8 : memref<4112xf32, #tpu.memory_space<vmem>>) target_semaphore(%arg14 : memref<!tpu.dma_semaphore, #tpu.memory_space<semaphore_mem>>)
      %dma_wait3A_295 = tpu.memref_slice %arg3[%multiple_of3A] : memref<1000000xf32, #tpu.memory_space<hbm>> -> memref<4112xf32, #tpu.memory_space<hbm>>
      %dma_wait3A_296 = tpu.memref_slice %arg3[%multiple_of3A] : memref<1000000xf32, #tpu.memory_space<hbm>> -> memref<4112xf32, #tpu.memory_space<hbm>>
      tpu.wait_dma2 semaphore(%arg14 : memref<!tpu.dma_semaphore, #tpu.memory_space<semaphore_mem>>) src(%dma_wait3A_296 : memref<4112xf32, #tpu.memory_space<hbm>>) dst(%arg8 : memref<4112xf32, #tpu.memory_space<vmem>>)
      %mul3A_297 = arith.constant 256 : i32
      %mul3A_298 = vector.broadcast %mul3A_297 : i32 to vector<16xi32>
      %mul3A_299 = arith.muli %iota3A, %mul3A_298 : vector<16xi32>
      %add3A_300 = arith.constant 255 : i32
      %add3A_301 = vector.broadcast %add3A_300 : i32 to vector<16xi32>
      %add3A_302 = arith.addi %mul3A_299, %add3A_301 : vector<16xi32>
      %min3A_303 = arith.constant 4111 : i32
      %min3A_304 = vector.broadcast %min3A_303 : i32 to vector<16xi32>
      %min3A_305 = arith.minsi %add3A_302, %min3A_304 : vector<16xi32>
      %gather3A_306 = tpu.vector_load_idx %arg8[%min3A_305] : memref<4112xf32, #tpu.memory_space<vmem>>[vector<16xi32>], vector<16xf32>,
      %gt3A_307 = arith.cmpf ogt, %gather3A_306, %get3A_253 : vector<16xf32>
      %all_reduce_ffs3A_308 = tpu.all_reduce %gt3A_307 {dim = 0 : i64, kind = #tpu.reduction_kind<find_first_set>} : vector<16xi1> -> vector<16xi32>
      %slice3A_309 = vector.extract_strided_slice %all_reduce_ffs3A_308 {offsets = [0], sizes = [1], strides = [1]} : vector<16xi32> to vector<1xi32>
      %squeeze3A_310 = vector.extract %slice3A_309[0] : i32 from vector<1xi32>
      %mul3A_311 = arith.constant 256 : i32
      %mul3A_312 = arith.muli %squeeze3A_310, %mul3A_311 : i32
      %mul3A_313 = arith.constant 16 : i32
      %mul3A_314 = vector.broadcast %mul3A_313 : i32 to vector<16xi32>
      %mul3A_315 = arith.muli %iota3A, %mul3A_314 : vector<16xi32>
      %add3A_316 = vector.broadcast %mul3A_312 : i32 to vector<16xi32>
      %add3A_317 = arith.addi %add3A_316, %mul3A_315 : vector<16xi32>
      %add3A_318 = arith.constant 15 : i32
      %add3A_319 = vector.broadcast %add3A_318 : i32 to vector<16xi32>
      %add3A_320 = arith.addi %add3A_317, %add3A_319 : vector<16xi32>
      %min3A_321 = arith.constant 4111 : i32
      %min3A_322 = vector.broadcast %min3A_321 : i32 to vector<16xi32>
      %min3A_323 = arith.minsi %add3A_320, %min3A_322 : vector<16xi32>
      %gather3A_324 = tpu.vector_load_idx %arg8[%min3A_323] : memref<4112xf32, #tpu.memory_space<vmem>>[vector<16xi32>], vector<16xf32>,
      %gt3A_325 = arith.cmpf ogt, %gather3A_324, %get3A_253 : vector<16xf32>
      %all_reduce_ffs3A_326 = tpu.all_reduce %gt3A_325 {dim = 0 : i64, kind = #tpu.reduction_kind<find_first_set>} : vector<16xi1> -> vector<16xi32>
      %slice3A_327 = vector.extract_strided_slice %all_reduce_ffs3A_326 {offsets = [0], sizes = [1], strides = [1]} : vector<16xi32> to vector<1xi32>
      %squeeze3A_328 = vector.extract %slice3A_327[0] : i32 from vector<1xi32>
      %mul3A_329 = arith.constant 16 : i32
      %mul3A_330 = arith.muli %squeeze3A_328, %mul3A_329 : i32
      %add3A_331 = arith.addi %mul3A_312, %mul3A_330 : i32
      %add3A_332 = vector.broadcast %add3A_331 : i32 to vector<16xi32>
      %add3A_333 = arith.addi %add3A_332, %iota3A : vector<16xi32>
      %min3A_334 = arith.constant 4111 : i32
      %min3A_335 = vector.broadcast %min3A_334 : i32 to vector<16xi32>
      %min3A_336 = arith.minsi %add3A_333, %min3A_335 : vector<16xi32>
      %gather3A_337 = tpu.vector_load_idx %arg8[%min3A_336] : memref<4112xf32, #tpu.memory_space<vmem>>[vector<16xi32>], vector<16xf32>,
      %le3A_338 = arith.cmpf ole, %gather3A_337, %get3A_253 : vector<16xf32>
      %all_reduce_population_count3A_339 = tpu.all_reduce %le3A_338 {dim = 0 : i64, kind = #tpu.reduction_kind<sum>} : vector<16xi1> -> vector<16xi32>
      %slice3A_340 = vector.extract_strided_slice %all_reduce_population_count3A_339 {offsets = [0], sizes = [1], strides = [1]} : vector<16xi32> to vector<1xi32>
      %squeeze3A_341 = vector.extract %slice3A_340[0] : i32 from vector<1xi32>
      %add3A_342 = arith.addi %add3A_331, %squeeze3A_341 : i32
      %min3A_343 = arith.constant 4096 : i32
      %min3A_344 = arith.minsi %add3A_342, %min3A_343 : i32
      %get3A_345 = arith.constant 4096 : index
      %get3A_346 = tpu.vector_load %arg8[%get3A_345] {strides = array<i32>} : memref<4112xf32, #tpu.memory_space<vmem>>, vector<16xf32>,
      %le3A_347 = arith.cmpf ole, %get3A_346, %get3A_253 : vector<16xf32>
      %all_reduce_population_count3A_348 = tpu.all_reduce %le3A_347 {dim = 0 : i64, kind = #tpu.reduction_kind<sum>} : vector<16xi1> -> vector<16xi32>
      %slice3A_349 = vector.extract_strided_slice %all_reduce_population_count3A_348 {offsets = [0], sizes = [1], strides = [1]} : vector<16xi32> to vector<1xi32>
      %squeeze3A_350 = vector.extract %slice3A_349[0] : i32 from vector<1xi32>
      %add3A_351 = arith.addi %multiple_of3A, %min3A_344 : i32
      %add3A_352 = arith.addi %add3A_351, %squeeze3A_350 : i32
      %sub3A_353 = arith.constant 1 : i32
      %sub3A_354 = arith.subi %add3A_352, %sub3A_353 : i32
      %jit3A = arith.constant 0 : i32
      %jit3A_355 = arith.constant 999998 : i32
      %max3A_356 = arith.maxsi %jit3A, %sub3A_354 : i32
      %min3A_357 = arith.minsi %jit3A_355, %max3A_356 : i32
      %and3A_358 = arith.constant -128 : i32
      %and3A_359 = arith.andi %min3A_357, %and3A_358 : i32
      %min3A_360 = arith.constant 999680 : i32
      %min3A_361 = arith.minsi %and3A_359, %min3A_360 : i32
      %multiple_of3A_362 = tpu.assume_multiple %min3A_361, 128 : i32
      %dma_start3A_363 = arith.constant 0 : i32
      %dma_start3A_364 = tpu.memref_slice %arg4[%dma_start3A_363, %multiple_of3A_362] : memref<32x1000000xf32, #tpu.memory_space<hbm>> -> memref<32x256xf32, #tpu.memory_space<hbm>>
      %dma_start3A_365 = arith.constant 0 : i32
      %dma_start3A_366 = tpu.memref_slice %arg4[%dma_start3A_365, %multiple_of3A_362] : memref<32x1000000xf32, #tpu.memory_space<hbm>> -> memref<32x256xf32, #tpu.memory_space<hbm>>
      tpu.enqueue_dma source(%dma_start3A_366 : memref<32x256xf32, #tpu.memory_space<hbm>>) target(%arg10 : memref<32x256xf32, #tpu.memory_space<vmem>>) target_semaphore(%arg14 : memref<!tpu.dma_semaphore, #tpu.memory_space<semaphore_mem>>)
      %sub3A_367 = arith.subi %min3A_357, %multiple_of3A : i32
      %add3A_368 = vector.broadcast %sub3A_367 : i32 to vector<16xi32>
      %add3A_369 = arith.addi %broadcast_in_dim3A_4, %add3A_368 : vector<16xi32>
      %gather3A_370 = tpu.vector_load_idx %arg8[%add3A_369] : memref<4112xf32, #tpu.memory_space<vmem>>[vector<16xi32>], vector<16xf32>,
      %add3A_371 = arith.constant 1 : i32
      %add3A_372 = arith.addi %min3A_357, %add3A_371 : i32
      %sub3A_373 = arith.subi %add3A_372, %multiple_of3A : i32
      %add3A_374 = vector.broadcast %sub3A_373 : i32 to vector<16xi32>
      %add3A_375 = arith.addi %broadcast_in_dim3A_4, %add3A_374 : vector<16xi32>
      %gather3A_376 = tpu.vector_load_idx %arg8[%add3A_375] : memref<4112xf32, #tpu.memory_space<vmem>>[vector<16xi32>], vector<16xf32>,
      %sub3A_377 = arith.subf %get3A_253, %gather3A_370 : vector<16xf32>
      %sub3A_378 = arith.subf %gather3A_376, %gather3A_370 : vector<16xf32>
      %add3A_379 = arith.constant 1.000000e-10 : f32
      %add3A_380 = vector.broadcast %add3A_379 : f32 to vector<16xf32>
      %add3A_381 = arith.addf %sub3A_378, %add3A_380 : vector<16xf32>
      %div3A = arith.divf %sub3A_377, %add3A_381 : vector<16xf32>
      %jit3A_382 = arith.constant 0.000000e+00 : f32
      %jit3A_383 = arith.constant 1.000000e+00 : f32
      %max3A_384 = vector.broadcast %jit3A_382 : f32 to vector<16xf32>
      %max3A_385 = arith.maximumf %max3A_384, %div3A : vector<16xf32>
      %min3A_386 = vector.broadcast %jit3A_383 : f32 to vector<16xf32>
      %min3A_387 = arith.minimumf %min3A_386, %max3A_385 : vector<16xf32>
      %dma_wait3A_388 = arith.constant 0 : i32
      %dma_wait3A_389 = tpu.memref_slice %arg4[%dma_wait3A_388, %multiple_of3A_362] : memref<32x1000000xf32, #tpu.memory_space<hbm>> -> memref<32x256xf32, #tpu.memory_space<hbm>>
      %dma_wait3A_390 = arith.constant 0 : i32
      %dma_wait3A_391 = tpu.memref_slice %arg4[%dma_wait3A_390, %multiple_of3A_362] : memref<32x1000000xf32, #tpu.memory_space<hbm>> -> memref<32x256xf32, #tpu.memory_space<hbm>>
      tpu.wait_dma2 semaphore(%arg14 : memref<!tpu.dma_semaphore, #tpu.memory_space<semaphore_mem>>) src(%dma_wait3A_391 : memref<32x256xf32, #tpu.memory_space<hbm>>) dst(%arg10 : memref<32x256xf32, #tpu.memory_space<vmem>>)
      %dma_wait3A_392 = arith.constant 0 : i32
      %dma_wait3A_393 = arith.constant 999936 : i32
      %dma_wait3A_394 = tpu.memref_slice %arg4[%dma_wait3A_392, %dma_wait3A_393] : memref<32x1000000xf32, #tpu.memory_space<hbm>> -> memref<32x64xf32, #tpu.memory_space<hbm>>
      %dma_wait3A_395 = arith.constant 0 : i32
      %dma_wait3A_396 = arith.constant 999936 : i32
      %dma_wait3A_397 = tpu.memref_slice %arg4[%dma_wait3A_395, %dma_wait3A_396] : memref<32x1000000xf32, #tpu.memory_space<hbm>> -> memref<32x64xf32, #tpu.memory_space<hbm>>
      tpu.wait_dma2 semaphore(%arg15 : memref<!tpu.dma_semaphore, #tpu.memory_space<semaphore_mem>>) src(%dma_wait3A_397 : memref<32x64xf32, #tpu.memory_space<hbm>>) dst(%arg11 : memref<32x64xf32, #tpu.memory_space<vmem>>)
      %add3A_398 = arith.constant 0 : i32
      %add3A_399 = vector.broadcast %add3A_398 : i32 to vector<16xi32>
      %add3A_400 = arith.addi %iota3A, %add3A_399 : vector<16xi32>
      %add3A_401 = arith.constant 1 : i32
      %add3A_402 = arith.addi %min3A_357, %add3A_401 : i32
      %ge3A = arith.constant 999936 : i32
      %ge3A_403 = arith.cmpi sge, %min3A_357, %ge3A : i32
      %sub3A_404 = arith.subi %min3A_357, %multiple_of3A_362 : i32
      %min3A_405 = arith.constant 255 : i32
      %min3A_406 = arith.minsi %sub3A_404, %min3A_405 : i32
      %add3A_407 = vector.broadcast %min3A_406 : i32 to vector<16xi32>
      %add3A_408 = arith.addi %broadcast_in_dim3A_4, %add3A_407 : vector<16xi32>
      %sub3A_409 = arith.constant 999936 : i32
      %sub3A_410 = arith.subi %min3A_357, %sub3A_409 : i32
      %jit3A_411 = arith.constant 0 : i32
      %jit3A_412 = arith.constant 63 : i32
      %max3A_413 = arith.maxsi %jit3A_411, %sub3A_410 : i32
      %min3A_414 = arith.minsi %jit3A_412, %max3A_413 : i32
      %add3A_415 = vector.broadcast %min3A_414 : i32 to vector<16xi32>
      %add3A_416 = arith.addi %broadcast_in_dim3A_4, %add3A_415 : vector<16xi32>
      %gather3A_417 = tpu.vector_load_idx %arg10[%add3A_400, %add3A_408] : memref<32x256xf32, #tpu.memory_space<vmem>>[vector<16xi32>, vector<16xi32>], vector<16xf32>,
      %gather3A_418 = tpu.vector_load_idx %arg11[%add3A_400, %add3A_416] : memref<32x64xf32, #tpu.memory_space<vmem>>[vector<16xi32>, vector<16xi32>], vector<16xf32>,
      %select_n3A = arith.select %ge3A_403, %gather3A_418, %gather3A_417 : vector<16xf32>
      %ge3A_419 = arith.constant 999936 : i32
      %ge3A_420 = arith.cmpi sge, %add3A_402, %ge3A_419 : i32
      %sub3A_421 = arith.subi %add3A_402, %multiple_of3A_362 : i32
      %min3A_422 = arith.constant 255 : i32
      %min3A_423 = arith.minsi %sub3A_421, %min3A_422 : i32
      %add3A_424 = vector.broadcast %min3A_423 : i32 to vector<16xi32>
      %add3A_425 = arith.addi %broadcast_in_dim3A_4, %add3A_424 : vector<16xi32>
      %sub3A_426 = arith.constant 999936 : i32
      %sub3A_427 = arith.subi %add3A_402, %sub3A_426 : i32
      %jit3A_428 = arith.constant 0 : i32
      %jit3A_429 = arith.constant 63 : i32
      %max3A_430 = arith.maxsi %jit3A_428, %sub3A_427 : i32
      %min3A_431 = arith.minsi %jit3A_429, %max3A_430 : i32
      %add3A_432 = vector.broadcast %min3A_431 : i32 to vector<16xi32>
      %add3A_433 = arith.addi %broadcast_in_dim3A_4, %add3A_432 : vector<16xi32>
      %gather3A_434 = tpu.vector_load_idx %arg10[%add3A_400, %add3A_425] : memref<32x256xf32, #tpu.memory_space<vmem>>[vector<16xi32>, vector<16xi32>], vector<16xf32>,
      %gather3A_435 = tpu.vector_load_idx %arg11[%add3A_400, %add3A_433] : memref<32x64xf32, #tpu.memory_space<vmem>>[vector<16xi32>, vector<16xi32>], vector<16xf32>,
      %select_n3A_436 = arith.select %ge3A_420, %gather3A_435, %gather3A_434 : vector<16xf32>
      %sub3A_437 = arith.subf %select_n3A_436, %select_n3A : vector<16xf32>
      %mul3A_438 = arith.mulf %min3A_387, %sub3A_437 : vector<16xf32>
      %add3A_439 = arith.addf %select_n3A, %mul3A_438 : vector<16xf32>
      %swap3A_440 = arith.constant 0 : index
      %swap3A_441 = tpu.vector_load %arg12[%swap3A_440] {strides = array<i32>} : memref<32xf32, #tpu.memory_space<vmem>>, vector<16xf32>,
      tpu.vector_store %arg12[%swap3A_440], %add3A_439 {strides = array<i32>} : memref<32xf32, #tpu.memory_space<vmem>>, vector<16xf32>,
      %add3A_442 = arith.constant 16 : i32
      %add3A_443 = vector.broadcast %add3A_442 : i32 to vector<16xi32>
      %add3A_444 = arith.addi %iota3A, %add3A_443 : vector<16xi32>
      %add3A_445 = arith.constant 1 : i32
      %add3A_446 = arith.addi %min3A_357, %add3A_445 : i32
      %ge3A_447 = arith.constant 999936 : i32
      %ge3A_448 = arith.cmpi sge, %min3A_357, %ge3A_447 : i32
      %sub3A_449 = arith.subi %min3A_357, %multiple_of3A_362 : i32
      %min3A_450 = arith.constant 255 : i32
      %min3A_451 = arith.minsi %sub3A_449, %min3A_450 : i32
      %add3A_452 = vector.broadcast %min3A_451 : i32 to vector<16xi32>
      %add3A_453 = arith.addi %broadcast_in_dim3A_4, %add3A_452 : vector<16xi32>
      %sub3A_454 = arith.constant 999936 : i32
      %sub3A_455 = arith.subi %min3A_357, %sub3A_454 : i32
      %jit3A_456 = arith.constant 0 : i32
      %jit3A_457 = arith.constant 63 : i32
      %max3A_458 = arith.maxsi %jit3A_456, %sub3A_455 : i32
      %min3A_459 = arith.minsi %jit3A_457, %max3A_458 : i32
      %add3A_460 = vector.broadcast %min3A_459 : i32 to vector<16xi32>
      %add3A_461 = arith.addi %broadcast_in_dim3A_4, %add3A_460 : vector<16xi32>
      %gather3A_462 = tpu.vector_load_idx %arg10[%add3A_444, %add3A_453] : memref<32x256xf32, #tpu.memory_space<vmem>>[vector<16xi32>, vector<16xi32>], vector<16xf32>,
      %gather3A_463 = tpu.vector_load_idx %arg11[%add3A_444, %add3A_461] : memref<32x64xf32, #tpu.memory_space<vmem>>[vector<16xi32>, vector<16xi32>], vector<16xf32>,
      %select_n3A_464 = arith.select %ge3A_448, %gather3A_463, %gather3A_462 : vector<16xf32>
      %ge3A_465 = arith.constant 999936 : i32
      %ge3A_466 = arith.cmpi sge, %add3A_446, %ge3A_465 : i32
      %sub3A_467 = arith.subi %add3A_446, %multiple_of3A_362 : i32
      %min3A_468 = arith.constant 255 : i32
      %min3A_469 = arith.minsi %sub3A_467, %min3A_468 : i32
      %add3A_470 = vector.broadcast %min3A_469 : i32 to vector<16xi32>
      %add3A_471 = arith.addi %broadcast_in_dim3A_4, %add3A_470 : vector<16xi32>
      %sub3A_472 = arith.constant 999936 : i32
      %sub3A_473 = arith.subi %add3A_446, %sub3A_472 : i32
      %jit3A_474 = arith.constant 0 : i32
      %jit3A_475 = arith.constant 63 : i32
      %max3A_476 = arith.maxsi %jit3A_474, %sub3A_473 : i32
      %min3A_477 = arith.minsi %jit3A_475, %max3A_476 : i32
      %add3A_478 = vector.broadcast %min3A_477 : i32 to vector<16xi32>
      %add3A_479 = arith.addi %broadcast_in_dim3A_4, %add3A_478 : vector<16xi32>
      %gather3A_480 = tpu.vector_load_idx %arg10[%add3A_444, %add3A_471] : memref<32x256xf32, #tpu.memory_space<vmem>>[vector<16xi32>, vector<16xi32>], vector<16xf32>,
      %gather3A_481 = tpu.vector_load_idx %arg11[%add3A_444, %add3A_479] : memref<32x64xf32, #tpu.memory_space<vmem>>[vector<16xi32>, vector<16xi32>], vector<16xf32>,
      %select_n3A_482 = arith.select %ge3A_466, %gather3A_481, %gather3A_480 : vector<16xf32>
      %sub3A_483 = arith.subf %select_n3A_482, %select_n3A_464 : vector<16xf32>
      %mul3A_484 = arith.mulf %min3A_387, %sub3A_483 : vector<16xf32>
      %add3A_485 = arith.addf %select_n3A_464, %mul3A_484 : vector<16xf32>
      %swap3A_486 = arith.constant 16 : index
      %swap3A_487 = tpu.vector_load %arg12[%swap3A_486] {strides = array<i32>} : memref<32xf32, #tpu.memory_space<vmem>>, vector<16xf32>,
      tpu.vector_store %arg12[%swap3A_486], %add3A_485 {strides = array<i32>} : memref<32xf32, #tpu.memory_space<vmem>>, vector<16xf32>,
      "tpu.region"() ({
        %run_scoped3A = tpu.sem_alloc : memref<!tpu.dma_semaphore, #tpu.memory_space<semaphore_mem>>
        tpu.enqueue_dma source(%arg12 : memref<32xf32, #tpu.memory_space<vmem>>) target(%arg5 : memref<32xf32, #tpu.memory_space<hbm>>) target_semaphore(%run_scoped3A : memref<!tpu.dma_semaphore, #tpu.memory_space<semaphore_mem>>)
        tpu.wait_dma2 semaphore(%run_scoped3A : memref<!tpu.dma_semaphore, #tpu.memory_space<semaphore_mem>>) src(%arg12 : memref<32xf32, #tpu.memory_space<vmem>>) dst(%arg5 : memref<32xf32, #tpu.memory_space<hbm>>)
        tpu.yield
      }) : () -> ()
    } else {
    }
    return
  }
}

</mosaic_0001>

<sc_bundles>
// kernel: kernel.3.cloned.1.call-start
scs
__scs_entry_jumppad:
0x0: {  	(pc) =	sbr.rel $0x88, $3  }
0x1: {  	(tag) =	ssettag $0x0;
	lr =	simm.s32 $0x1  }
0x2: {  	[smem:$0x3F9E] =	sst lr;
	_ =	strace $0xD0000000  }
0x3: {  	_ = 	snop  }
0x4: {  	_ = 	snop  }
0x5: {  	_ = 	snop  }
0x6: {  	_ = 	snop  }
0x7: {  	_ = 	snop  }
__scs_overlays_trampoline_lowered:
0x8: {  	[smem:$0x3FAD] =	sst s0  }
0x9: {  	[smem:$0x3FAE] =	sst s1  }
0xa: {  	[smem:$0x3FAF] =	sst s2  }
0xb: {  	[smem:$0x3FB0] =	sst s3  }
0xc: {  	[smem:$0x3FB1] =	sst s4  }
0xd: {  	[smem:$0x3FB2] =	sst s5  }
0xe: {  	[smem:$0x3FB3] =	sst s6  }
0xf: {  	[smem:$0x3FB4] =	sst s7  }
0x10: {  	[smem:$0x3FB5] =	sst s8  }
0x11: {  	[smem:$0x3FB6] =	sst s9;
	s0 =	simm.s32 @!p0 $0x0  }
0x12: {  	s1 =	sld [smem:$0x3F9C];
	s0 =	simm.s32 @p0 $0x1  }
0x13: {  	[smem:$0x3FB7] =	sst s0;
	s0 =	simm.s32 @!p1 $0x0  }
0x14: {  	s2 =	sld [smem:$0x3F9B];
	s0 =	simm.s32 @p1 $0x1  }
0x15: {  	[smem:$0x3FB8] =	sst s0;
	s0 =	simm.s32 @!p2 $0x0  }
0x16: {  	s3 =	sld [smem:$0x3FDB];
	s0 =	simm.s32 @p2 $0x1  }
0x17: {  	s4 =	simm.s32 $0x1BF5;
	[smem:$0x3FBA] =	sst s0  }
0x18: {  	s0 =	sld [smem:$0x3F9D];
	_ =	swait.ge [sflag:s4], $0x0  }
0x19: {  	s7 =	sld [smem:$0x3F9E]  }
0x1a: {  	s8 =	sadd.s32 $0xFFFFE003, lr  }
0x1b: {  	s9 =	sadd.s32 $0xFFFFFEF7, lr;
	s5 =	simm.s32 $0xFFFFFFFF;
	p2 =	slt.u32 s8, $0xFFFFF086  }
0x1c: {  	p1 =	slt.u32 s9, $0xF7A;
	s5 =	simm.s32 @!p2 $0x0  }
0x1d: {  	s5 =	simm.s32 @p1 $0x1;
	p0 =	seq.s32 s7, s2  }
0x1e: {  	s7 =	smul.u32 @!p0 $0xF7A, s2;
	p2 =	seq.s32 @!p0 s5, $0x0  }
0x1f: {  	s9 =	smul.u32 $0xF7A, s1;
	s8 =	simm.s32 @!p0 $0x1BF5;
	p2 =	por !p2, p0  }
0x20: {  	[sflag:s8] =	ssyncset.s32 @!p0 $0xFFFFF086;
	s6 =	sadd.s32 @!p0 s3, s7;
	s7 =	simm.s32 @!p0 $0x108  }
0x21: {  	s3 =	sadd.s32 s3, s9;
	s6 =	sadd.s32 @!p0 $0x88, s6;
	s7 =	simm.s32 @p2 $0x1082  }
0x22: {  	[simem:s7], [sflag:s8] =	dma.local @!p0 [hbm:s6], $0xF7A  }
0x23: {  	s9 =	sor.u32 $0xD0000000, s2;
	s6 =	simm.s32 $0x108;
	_ =	swait.ge @!p0 [sflag:s8], $0x0  }
0x24: {  	s3 =	sadd.s32 $0x88, s3;
	s6 =	simm.s32 @!p1 $0x1082;
	[sflag:s4] =	ssyncset.s32 $0xFFFFF086  }
0x25: {  	[simem:s6], [sflag:s4] =	dma.local [hbm:s3], $0xF7A  }
0x26: {  	[smem:$0x3F9E] =	sst s1;
	(tag) =	ssettag s2;
	_ =	strace s9  }
0x27: {  	s1 =	sld [smem:$0x3FAE]  }
0x28: {  	s2 =	sld [smem:$0x3FAF]  }
0x29: {  	s4 =	sld [smem:$0x3FB1]  }
0x2a: {  	p0 =	seq.s32 s5, $0x0;
	s5 =	sld [smem:$0x3FB2]  }
0x2b: {  	s6 =	sld [smem:$0x3FB3]  }
0x2c: {  	s7 =	sld [smem:$0x3FB4]  }
0x2d: {  	s3 =	simm.s32 $0x108;
	s8 =	sld [smem:$0x3FB5]  }
0x2e: {  	s3 =	simm.s32 @!p0 $0x1082;
	s9 =	sld [smem:$0x3FB6]  }
0x2f: {  	lr =	sadd.s32 s0, s3;
	s0 =	sld [smem:$0x3FAD]  }
0x30: {  	s3 =	sld [smem:$0x3FB0]  }
0x31: {  	[smem:$0x3FB9] =	sst s10  }
0x32: {  	s10 =	sld [smem:$0x3FB7];
	_ =	sdelay $0x3  }
0x33: {  	p0 =	seq.s32 s10, $0x1;
	s10 =	sld [smem:$0x3FB9];
	_ =	sdelay $0x3  }
0x34: {  	[smem:$0x3FB9] =	sst s10  }
0x35: {  	s10 =	sld [smem:$0x3FB8];
	_ =	sdelay $0x3  }
0x36: {  	p1 =	seq.s32 s10, $0x1;
	s10 =	sld [smem:$0x3FB9];
	_ =	sdelay $0x3  }
0x37: {  	[smem:$0x3FB9] =	sst s10  }
0x38: {  	s10 =	sld [smem:$0x3FBA]  }
0x39: {  	_ = 	snop;
	(pc) =	sbr.ind lr, $3  }
0x3a: {  	_ = 	snop  }
0x3b: {  	_ = 	snop  }
0x3c: {  	p2 =	seq.s32 s10, $0x1;
	s10 =	sld [smem:$0x3FB9]  }
0x3d: {  	_ =	shalt  }
0x3e: {  	_ =	shalt  }
0x3f: {  	_ =	shalt  }
0x40: {  	_ =	shalt  }
0x41: {  	_ =	shalt  }
0x42: {  	_ =	shalt  }
0x43: {  	_ =	shalt  }
0x44: {  	_ =	shalt  }
0x45: {  	_ =	shalt  }
0x46: {  	_ =	shalt  }
0x47: {  	_ =	shalt  }
0x48: {  	_ =	shalt  }
0x49: {  	_ =	shalt  }
0x4a: {  	_ =	shalt  }
0x4b: {  	_ =	shalt  }
0x4c: {  	_ =	shalt  }
0x4d: {  	_ =	shalt  }
0x4e: {  	_ =	shalt  }
0x4f: {  	_ =	shalt  }
0x50: {  	_ =	shalt  }
0x51: {  	_ =	shalt  }
0x52: {  	_ =	shalt  }
0x53: {  	_ =	shalt  }
0x54: {  	_ =	shalt  }
0x55: {  	_ =	shalt  }
0x56: {  	_ =	shalt  }
0x57: {  	_ =	shalt  }
0x58: {  	_ =	shalt  }
0x59: {  	_ =	shalt  }
0x5a: {  	_ =	shalt  }
0x5b: {  	_ =	shalt  }
0x5c: {  	_ =	shalt  }
0x5d: {  	_ =	shalt  }
0x5e: {  	_ =	shalt  }
0x5f: {  	_ =	shalt  }
0x60: {  	_ =	shalt  }
0x61: {  	_ =	shalt  }
0x62: {  	_ =	shalt  }
0x63: {  	_ =	shalt  }
0x64: {  	_ =	shalt  }
0x65: {  	_ =	shalt  }
0x66: {  	_ =	shalt  }
0x67: {  	_ =	shalt  }
0x68: {  	_ =	shalt  }
0x69: {  	_ =	shalt  }
0x6a: {  	_ =	shalt  }
0x6b: {  	_ =	shalt  }
0x6c: {  	_ =	shalt  }
0x6d: {  	_ =	shalt  }
0x6e: {  	_ =	shalt  }
0x6f: {  	_ =	shalt  }
0x70: {  	_ =	shalt  }
0x71: {  	_ =	shalt  }
0x72: {  	_ =	shalt  }
0x73: {  	_ =	shalt  }
0x74: {  	_ =	shalt  }
0x75: {  	_ =	shalt  }
0x76: {  	_ =	shalt  }
0x77: {  	_ =	shalt  }
0x78: {  	_ =	shalt  }
0x79: {  	_ =	shalt  }
0x7a: {  	_ =	shalt  }
0x7b: {  	_ =	shalt  }
0x7c: {  	_ =	shalt  }
0x7d: {  	_ =	shalt  }
0x7e: {  	_ =	shalt  }
0x7f: {  	_ =	shalt  }
0x80: {  	_ =	shalt  }
0x81: {  	_ =	shalt  }
0x82: {  	_ =	shalt  }
0x83: {  	_ =	shalt  }
0x84: {  	_ =	shalt  }
0x85: {  	_ =	shalt  }
0x86: {  	_ =	shalt  }
0x87: {  	_ =	shalt  }
.Lfunc_end0:
.L_simem_size_0:
called_computation_lowered:
.L_overlay_start_0:
0x88: {  	s0 =	sld [smem:$0x3FD9]  }
0x89: {  	s1 =	sld [smem:$0x3FFE];
	_ =	sdelay $0x3  }
0x8a: {  	s0 =	sadd.s32 s1, s0  }
0x8b: {  	[smem:$0x3FC5] =	sst s0  }
0x8c: {  	_ = 	snop  }
0x8d: {  	s0 =	sld [smem:$0x3FC8]  }
0x8e: {  	s16 =	sld [smem:$0x3FC7]  }
0x8f: {  	s2 =	sld [smem:$0x3FD0];
	(tm) =	ssettm $0x1  }
0x90: {  	s3 =	sld [smem:$0x3FFB];
	_ =	sdelay $0x3  }
0x91: {  	_ =	strace s3  }
0x92: {  	s3 =	sld [smem:$0x3FFC];
	_ =	sdelay $0x3  }
0x93: {  	_ =	strace s3  }
0x94: {  	s3 =	sld [smem:$0x3FFD];
	_ =	sdelay $0x3  }
0x95: {  	_ =	strace s3  }
0x96: {  	_ =	strace $0x8FFFFFFF  }
0x97: {  	s17 =	sld [smem:$0x3FDB];
	_ =	sdelay $0x1  }
0x98: {  	s4 =	simm.s32 $_scs_section_size  }
0x99: {  	s5 =	simm.s32 $_size__tile_overlayer_lowered;
	s6 =	simm.s32 $_tile_overlayer_lowered  }
0x9a: {  	s20 =	simm.s32 $0x1BFF;
	s19 =	sshll.u32 s6, $0x1;
	s3 =	sadd.s32 s4, s17  }
0x9b: {  	s7 =	simm.s32 $0x0;
	s18 =	sshll.u32 s5, $0x1;
	s5 =	sadd.s32 s19, s3  }
0x9c: {  	[timem:s7], [sflag:s20] =	dma.local [hbm:s5], s18  }
0x9d: {  	_ =	swait.ge [sflag:s20], s18  }
0x9e: {  	s4 =	ssub.s32 $0x0, s18;
	[sflag:s20] =	ssyncset.done $0x0  }
0x9f: {  	[sflag:s20] =	ssyncadd.s32 s4;
	_ =	sdelay $0x1  }
0xa0: {  	s21 =	simm.s32 $0x1B8B  }
0xa1: {  	_ =	swait.ge [sflag:s21], $0x1  }
0xa2: {  	[sflag:s21] =	ssyncset.done $0x0  }
0xa3: {  	s23 =	simm.s32 $0x1B8E;
	s22 =	sld [smem:$0x3FFE];
	[sflag:s21] =	ssyncadd.s32 $0xFFFFFFFF  }
0xa4: {  	s24 =	simm.s32 $execute0_lowered;
	[smem:$0x3FD2] =	sst s23  }
0xa5: {  	s5 =	sshll.u32 s24, $0x1;
	_ =	strace $0x80000046;
	[dreg:$0x1] =	wrdreg $0xFFFFFFFF  }
0xa6: {  	s25 =	simm.s32 $_size_execute0_lowered;
	s3 =	sadd.s32 s3, s5;
	[dreg:$0x0] =	wrdreg $0x0  }
0xa7: {  	s5 =	sshll.u32 s25, $0x1;
	[dreg:$0x2] =	wrdreg s3  }
0xa8: {  	[dreg:$0x3] =	wrdreg s5  }
0xa9: {  	[dreg:$0x4] =	wrdreg $0xC0  }
0xaa: {  	_ =	task [dreg:s7], $0x5FFFF  }
0xab: {  	[dreg:$0x1] =	wrdreg $0xFFFFFFFF  }
0xac: {  	[dreg:$0x0] =	wrdreg $0x60  }
0xad: {  	[dreg:$0x2] =	wrdreg s22  }
0xae: {  	[dreg:$0x3] =	wrdreg s0  }
0xaf: {  	[dreg:$0x4] =	wrdreg s16  }
0xb0: {  	[dreg:$0x5] =	wrdreg s2  }
0xb1: {  	[dreg:$0x6] =	wrdreg $0x9  }
0xb2: {  	_ =	task.clear_ibuf [dreg:s7], $0x7FFFF;
	_ =	strace $0x90000046  }
0xb3: {  	s26 =	simm.s32 $0x9;
	_ =	strace $0x80000048  }
0xb4: {  	_ =	swait.ge [sflag:s26], $0x1  }
0xb5: {  	[sflag:s26] =	ssyncadd.s32 $0xFFFFFFFF  }
0xb6: {  	_ =	strace $0x90000048  }
0xb7: {  	_ =	sfence  }
0xb8: {  	s28 =	sld [smem:$0x0];
	_ =	sdelay $0x1  }
0xb9: {  	s29 =	srdreg.scid  }
0xba: {  	s30 =	sshll.u32 s29, $0xD;
	s31 =	sshrl.u32 s29, $0x2  }
0xbb: {  	s1 =	sand.u32 $0x1, s29;
	s2 =	sand.u32 $0x4000, s30;
	s0 =	sadd.s32 s31, s28  }
0xbc: {  	s1 =	sor.u32 s2, s1;
	s0 =	sshll.u32 s0, $0x11  }
0xbd: {  	s0 =	sor.u32 s0, s1  }
0xbe: {  	s0 =	sadd.s32 $0x8F2B, s0  }
0xbf: {  	[sflag:s0] =	ssyncadd.remote.s32 $0x1  }
0xc0: {  	_ =	sfence.sel $0xFFFF  }
0xc1: {  	[dreg:$0x0] =	wrdreg $0xFFFFFFFF;
	(pc) =	sbr.abs _section_cstart, $3  }
0xc2: {  	[dreg:$0x1] =	wrdreg $0xFFFFFFFF  }
0xc3: {  	_ =	task.clear_ibuf [dreg:s7], $0x2FFFF;
	_ =	strace $0x9FFFFFFF  }
0xc4: {  	(tm) =	ssettm $0x7FFFFFFF  }
0xc5: {  	_ =	shalt  }
tec
execute0_lowered:
.L_overlay_start_1:
0x0: {  	(tag) =	ssettag $0x1  }
0x1: {  	s3 =	rddreg [dreg:$0x0]  }
0x2: {  	s6 =	rddreg [dreg:$0x1]  }
0x3: {  	s4 =	rddreg [dreg:$0x2]  }
0x4: {  	s1 =	rddreg [dreg:$0x3];
	s2 =	simm.s32 $0x0  }
0x5: {  	s5 =	stileid.u32;
	[smem:$0x7FF] =	sst s2  }
0x6: {  	s0 =	rddreg [dreg:$0x4];
	p0 =	sne.s32 s5, $0x0;
	_ =	strace $0x80000047  }
0x7: {  	_ =	sfence.sel @p0 $0x180000  }
0x8: {  	[bflag:$0x0] =	sbarrier.arrive @p0 $0xFFFF  }
0x9: {  	_ =	strace @p0 $0x90000047  }
0xa: {  	[bflag:$0x2] =	sbarrier.arrive @p0 $0xFFFF  }
0xb: {  	_ =	shalt @p0  }
.LBB2_1:
0xc: {  	s3 =	sadd.s32 $0x400, s3;
	s7 =	sadd.s32 $0xF4200, s4;
	s5 =	simm.s32 $0x1280  }
0xd: {  	v0 =	vlaneseq.u32;
	[tilespmem:s5], [sflag:$0x1] =	stream.linear.gather [hbm4b:s3+s2], $0x80, $0x38;
	[tilespmem:$0x4380] =	vst v63  }
0xe: {  	s8 =	simm.s32 $0x400;
	s30 =	simm.s32 $0x7A1400;
	s31 =	simm.s32 $0x3300;
	v1 =	vmul.u32 $0x1000, v0  }
0xf: {  	[tilespmem:s31], [sflag:$0x3] =	stream.strided.gather [hbm4b:s7+s8], $0x1000, s30, s8, $0x38;
	[tilespmem:$0x4380] =	vst v63  }
0x10: {  	v2 =	vor.u32 $0x10000, v1;
	[tilespmem:$0x0] =	vst v1  }
0x11: {  	v30 =	vor.u32 $0x20000, v1;
	[tilespmem:$0x10] =	vst v2  }
0x12: {  	v31 =	vor.u32 $0x30000, v1;
	[tilespmem:$0x20] =	vst v30  }
0x13: {  	v32 =	vor.u32 $0x40000, v1;
	[tilespmem:$0x30] =	vst v31  }
0x14: {  	v33 =	vor.u32 $0x50000, v1;
	[tilespmem:$0x40] =	vst v32  }
0x15: {  	v34 =	vor.u32 $0x60000, v1;
	[tilespmem:$0x50] =	vst v33  }
0x16: {  	v35 =	vor.u32 $0x70000, v1;
	[tilespmem:$0x60] =	vst v34  }
0x17: {  	v36 =	vor.u32 $0x80000, v1;
	[tilespmem:$0x70] =	vst v35  }
0x18: {  	v37 =	vor.u32 $0x90000, v1;
	[tilespmem:$0x80] =	vst v36  }
0x19: {  	v3 =	vimm.s32 $0xF423F;
	vm0 =	vcmask $0x300;
	v38 =	vor.u32 $0xA0000, v1;
	[tilespmem:$0x90] =	vst v37  }
0x1a: {  	vm2 =	vcmask $0x704;
	v3 =	vsel vm0, $0xF0000, v3;
	v39 =	vor.u32 $0xB0000, v1;
	[tilespmem:$0xA0] =	vst v38  }
0x1b: {  	vm1 =	vcmask $0xB08;
	v3 =	vsel vm2, $0xF1000, v3;
	v40 =	vor.u32 $0xC0000, v1;
	[tilespmem:$0xB0] =	vst v39  }
0x1c: {  	vm3 =	vcmask $0xF0C;
	v41 =	vor.u32 $0xD0000, v1;
	v3 =	vsel vm1, $0xF2000, v3;
	[tilespmem:$0xC0] =	vst v40  }
0x1d: {  	vm4 =	vcmask $0x1310;
	[tilespmem:$0xD0] =	vst v41;
	v1 =	vor.u32 $0xE0000, v1;
	v42 =	vsel vm3, $0xF3000, v3  }
0x1e: {  	[tilespmem:$0xE0] =	vst v1;
	v43 =	vsel vm4, $0xF4000, v42  }
0x1f: {  	s12 =	simm.s32 $0x80;
	s13 =	simm.s32 $0x100;
	[tilespmem:$0xF0] =	vst v43  }
0x20: {  	[tilespmem:s13], [sflag:$0x1] =	stream.indirect.gather [hbm4b:s6+s12], $0x1, s2, s12, $0xb8;
	[tilespmem:$0x4380] =	vst v63  }
0x21: {  	s9 =	simm.s32 $0x180;
	s14 =	simm.s32 $0x1  }
0x22: {  	[tilespmem:s9], [sflag:$0x1] =	stream.indirect.gather [hbm4b:s6+s12], $0x1, s12, s12, $0xb8;
	[tilespmem:$0x4380] =	vst v63  }
0x23: {  	_ =	swait.ge [sflag:s14], $0x80  }
0x24: {  	[sflag:s14] =	ssyncset.done $0x0  }
0x25: {  	[sflag:s14] =	ssyncadd.s32 $0xFFFFFF80  }
0x26: {  	v44 =	vmul.u32 $0x10, v0;
	_ =	swait.ge [sflag:s14], $0x80  }
0x27: {  	[sflag:s14] =	ssyncset.done $0x0  }
0x28: {  	v45 =	vor.u32 $0xF, v44;
	[sflag:s14] =	ssyncadd.s32 $0xFFFFFF80  }
0x29: {  	_ =	swait.ge [sflag:s14], $0x80  }
0x2a: {  	[sflag:s14] =	ssyncset.done $0x0  }
0x2b: {  	[sflag:s14] =	ssyncadd.s32 $0xFFFFFF80  }
0x2c: {  	v46 =	vld [tilespmem:$0x1280]  }
0x2d: {  	v47 =	vld.idx.msk [tilespmem:v45+s13+$0x0], $0xffff;
	_ =	sdelay $0x4  }
0x2e: {  	vm5 =	vgt.f32 v47, v46  }
0x2f: {  	v3 =	vmctz.xlane vm5;
	_ =	sdelay $0x1  }
0x30: {  	(v2sf) =	vpush v3, $0x0;
	_ =	sdelay $0xe  }
0x31: {  	s15 =	spop (v2sf)  }
0x32: {  	s7 =	sshll.u32 s15, $0x4  }
0x33: {  	v48 =	vor.u32 s7, v0  }
0x34: {  	vm8 =	vlt.s32 v48, $0xFF  }
0x35: {  	v3 =	vnsel vm8, $0xFF, v48;
	_ =	sdelay $0x4  }
0x36: {  	v3 =	vld.idx.msk [tilespmem:v3+s13+$0x0], $0xffff;
	_ =	sdelay $0x4  }
0x37: {  	vm9 =	vle.f32 v3, v46  }
0x38: {  	v3 =	vmpcnt.ones.xlane vm9;
	_ =	sdelay $0x1  }
0x39: {  	(v2sf) =	vpush v3, $0x0;
	_ =	sdelay $0xe  }
0x3a: {  	s16 =	spop (v2sf)  }
0x3b: {  	s7 =	sadd.s32 s7, s16  }
0x3c: {  	p0 =	slt.s32 s7, $0x100  }
0x3d: {  	s7 =	simm.s32 @!p0 $0x100  }
0x3e: {  	s7 =	sadd.s32 $0xFFFFFFFF, s7  }
0x3f: {  	p0 =	sgt.s32 s7, $0x0  }
0x40: {  	s7 =	simm.s32 @!p0 $0x0  }
0x41: {  	s9 =	sshll.u32 s7, $0xC  }
0x42: {  	p0 =	slt.s32 s9, $0xF3230  }
0x43: {  	v49 =	vmul.u32 $0x100, v0;
	s9 =	simm.s32 @!p0 $0xF3230  }
0x44: {  	s17 =	sshrl.u32 s9, $0x3  }
0x45: {  	s10 =	simm.s32 $0x200;
	s19 =	simm.s32 $0x2;
	v3 =	vor.u32 $0xFF, v49;
	s18 =	sadd.s32 s6, s17  }
0x46: {  	[tilespmem:s10], [sflag:$0x2] =	stream.linear.gather [hbm4b:s18+s2], $0x1010, $0x38;
	[tilespmem:$0x4380] =	vst v63  }
0x47: {  	_ =	swait.ge [sflag:s19], $0x1010  }
0x48: {  	[sflag:s19] =	ssyncset.done $0x0  }
0x49: {  	[sflag:s19] =	ssyncadd.s32 $0xFFFFEFF0  }
0x4a: {  	v3 =	vld.idx.msk [tilespmem:v3+s10+$0x0], $0xffff;
	_ =	sdelay $0x4  }
0x4b: {  	vm10 =	vgt.f32 v3, v46  }
0x4c: {  	v3 =	vmctz.xlane vm10;
	_ =	sdelay $0x1  }
0x4d: {  	(v2sf) =	vpush v3, $0x0;
	_ =	sdelay $0xe  }
0x4e: {  	s20 =	spop (v2sf)  }
0x4f: {  	s7 =	sshll.u32 s20, $0x8  }
0x50: {  	v2 =	vor.u32 s7, v45  }
0x51: {  	vm11 =	vlt.s32 v2, $0x100F  }
0x52: {  	v2 =	vnsel vm11, $0x100F, v2;
	_ =	sdelay $0x4  }
0x53: {  	v2 =	vld.idx.msk [tilespmem:v2+s10+$0x0], $0xffff;
	_ =	sdelay $0x4  }
0x54: {  	vm12 =	vgt.f32 v2, v46  }
0x55: {  	v2 =	vmctz.xlane vm12;
	_ =	sdelay $0x1  }
0x56: {  	(v2sf) =	vpush v2, $0x0;
	_ =	sdelay $0xe  }
0x57: {  	s21 =	spop (v2sf)  }
0x58: {  	s8 =	sshll.u32 s21, $0x4  }
0x59: {  	s7 =	sadd.s32 s7, s8  }
0x5a: {  	v50 =	vor.u32 s7, v0  }
0x5b: {  	vm13 =	vlt.s32 v50, $0x100F  }
0x5c: {  	v2 =	vnsel vm13, $0x100F, v50;
	_ =	sdelay $0x4  }
0x5d: {  	v2 =	vld.idx.msk [tilespmem:v2+s10+$0x0], $0xffff;
	_ =	sdelay $0x3  }
0x5e: {  	v51 =	vld [tilespmem:$0x1200]  }
0x5f: {  	vm14 =	vle.f32 v2, v46  }
0x60: {  	v2 =	vmpcnt.ones.xlane vm14;
	_ =	sdelay $0x1  }
0x61: {  	(v2sf) =	vpush v2, $0x0  }
0x62: {  	vm15 =	vle.f32 v51, v46  }
0x63: {  	v52 =	vmpcnt.ones.xlane vm15;
	_ =	sdelay $0x1  }
0x64: {  	(v2sf) =	vpush v52, $0x0;
	_ =	sdelay $0xa  }
0x65: {  	s22 =	spop (v2sf)  }
0x66: {  	s7 =	sadd.s32 s22, s7  }
0x67: {  	p0 =	slt.s32 s7, $0x1000  }
0x68: {  	s7 =	simm.s32 @!p0 $0x1000  }
0x69: {  	s23 =	spop (v2sf);
	s7 =	sadd.s32 s7, s9  }
0x6a: {  	s7 =	sadd.s32 s23, s7  }
0x6b: {  	s7 =	sadd.s32 $0xFFFFFFFF, s7  }
0x6c: {  	p0 =	sgt.s32 s7, $0x0;
	s8 =	smov.u32 s7  }
0x6d: {  	s8 =	simm.s32 @!p0 $0x0  }
0x6e: {  	s8 =	smin.u32 s8, $0xF423E  }
0x6f: {  	s11 =	ssub.s32 s8, s9;
	s12 =	sadd.s32 $0x1, s8  }
0x70: {  	v53 =	vmov s11;
	s9 =	ssub.s32 s12, s9  }
0x71: {  	s24 =	sand.u32 $0xFFF80, s8;
	v54 =	vmov s9  }
0x72: {  	s25 =	smin.u32 s24, $0xF4100  }
0x73: {  	s26 =	simm.s32 $0x1300;
	s13 =	simm.s32 $0x800;
	s11 =	sadd.s32 s4, s25  }
0x74: {  	[tilespmem:s26], [sflag:$0x2] =	stream.strided.gather [hbm4b:s11+s13], $0x2000, s30, s13, $0x38;
	[tilespmem:$0x4380] =	vst v63  }
0x75: {  	v2 =	vld.idx.msk [tilespmem:v53+s10+$0x0], $0xffff  }
0x76: {  	v3 =	vld.idx.msk [tilespmem:v54+s10+$0x0], $0xffff;
	_ =	sdelay $0x3  }
0x77: {  	v4 =	vimm.s32 $0xB80  }
0x78: {  	v4 =	vsel vm0, $0x0, v4;
	v3 =	vsub.f32 v3, v2  }
0x79: {  	v4 =	vsel vm2, $0x80, v4  }
0x7a: {  	v4 =	vsel vm1, $0x100, v4;
	v3 =	vadd.f32 $1.000000010e-10, v3  }
0x7b: {  	v4 =	vsel vm3, $0x180, v4  }
0x7c: {  	v4 =	vsel vm4, $0x200, v4;
	vm5 =	vcmask $0x1714;
	(erf) = vrcp.f32 v3  }
0x7d: {  	vm6 =	vcmask $0x1B18;
	v55 =	vsel vm5, $0x280, v4  }
0x7e: {  	vm7 =	vcmask $0x1F1C;
	v3 =	vsel vm6, $0x300, v55  }
0x7f: {  	v9 =	vimm.s32 $0x1B80;
	vm8 =	vcmask $0x2320;
	s5 =	ssub.s32 s8, s25;
	v3 =	vsel vm7, $0x380, v3  }
0x80: {  	vm9 =	vcmask $0x2724;
	vm10 =	vcmask $0x2F2C;
	p0 =	slt.s32 s5, $0xFF;
	v3 =	vsel vm8, $0x800, v3  }
0x81: {  	vm11 =	vcmask $0x3330;
	vm12 =	vcmask $0x2B28;
	s5 =	simm.s32 @!p0 $0xFF;
	v3 =	vsel vm9, $0x880, v3  }
0x82: {  	v0 =	vmul.u32 $0x80, v0;
	v56 =	vmov s5;
	s5 =	ssub.s32 s12, s25;
	v3 =	vsel vm12, $0x900, v3  }
0x83: {  	vm13 =	vcmask $0x3734;
	vm14 =	vcmask $0x3B38;
	p0 =	slt.s32 s5, $0xFF;
	v3 =	vsel vm10, $0x980, v3  }
0x84: {  	v5 =	vand.u32 $0x7F, v56;
	v4 =	vshll.u32 v56, $0x3;
	s5 =	simm.s32 @!p0 $0xFF;
	v3 =	vsel vm11, $0xA00, v3  }
0x85: {  	v4 =	vand.u32 $0xFFFFFC00, v4;
	v57 =	vmov s5;
	v3 =	vsel vm13, $0xA80, v3;
	v6 =	vpop (erf)  }
0x86: {  	s28 =	smax.u32 s8, $0xF4200;
	v4 =	vor.u32 v5, v4;
	v8 =	vshll.u32 v57, $0x3;
	v3 =	vsel vm14, $0xB00, v3;
	_ =	swait.ge [sflag:s19], $0x2000  }
0x87: {  	s5 =	sadd.s32 $0xFFF0BE00, s28;
	v5 =	vand.u32 $0x7F, v57;
	v8 =	vand.u32 $0xFFFFFC00, v8;
	v7 =	vadd.s32 v3, v4;
	[sflag:s19] =	ssyncset.done $0x0  }
0x88: {  	s29 =	simm.s32 $0x3;
	v58 =	vsel vm0, $0x1000, v9;
	s8 =	smax.u32 s8, $0xF41FF;
	v59 =	vor.u32 s5, v0;
	v5 =	vor.u32 v5, v8;
	[sflag:s19] =	ssyncadd.s32 $0xFFFFE000  }
0x89: {  	s8 =	sadd.s32 $0xFFF0BE01, s8;
	v8 =	vsel vm2, $0x1080, v58;
	v3 =	vadd.s32 v3, v5;
	_ =	swait.ge [sflag:s29], $0x1000  }
0x8a: {  	v10 =	vadd.s32 s8, v0;
	v8 =	vsel vm1, $0x1100, v8;
	[sflag:s29] =	ssyncset.done $0x0  }
0x8b: {  	v8 =	vsel vm3, $0x1180, v8;
	[sflag:s29] =	ssyncadd.s32 $0xFFFFF000  }
0x8c: {  	v8 =	vsel vm4, $0x1200, v8;
	v7 =	vld.idx.msk [tilespmem:v7+s26+$0x0], $0xffff  }
0x8d: {  	v8 =	vsel vm5, $0x1280, v8;
	v9 =	vld.idx.msk [tilespmem:v59+s31+$0x0], $0xffff  }
0x8e: {  	v8 =	vsel vm6, $0x1300, v8;
	v3 =	vld.idx.msk [tilespmem:v3+s26+$0x0], $0xffff  }
0x8f: {  	v8 =	vsel vm7, $0x1380, v8;
	v10 =	vld.idx.msk [tilespmem:v10+s31+$0x0], $0xffff  }
0x90: {  	v8 =	vsel vm8, $0x1800, v8  }
0x91: {  	v1 =	vsub.f32 v46, v2;
	v60 =	vsel vm9, $0x1880, v8  }
0x92: {  	v2 =	vsel vm12, $0x1900, v60  }
0x93: {  	p6 =	sgt.s32 s7, $0xF41FF;
	p1 =	sgt.s32 s7, $0xF41FE;
	v2 =	vsel vm10, $0x1980, v2;
	v1 =	vmul.f32 v6, v1  }
0x94: {  	v2 =	vsel vm11, $0x1A00, v2;
	v61 =	vpsel p6, v9, v7;
	v3 =	vpsel p1, v10, v3  }
0x95: {  	v2 =	vsel vm13, $0x1A80, v2;
	v1 =	vmax.f32 v1, $0.0e+00;
	v3 =	vsub.f32 v3, v61  }
0x96: {  	v2 =	vsel vm14, $0x1B00, v2;
	v1 =	vmin.f32 v1, $1.000000000e+00  }
0x97: {  	v0 =	vor.u32 $0x800, v0;
	v4 =	vadd.s32 v2, v4;
	v3 =	vmul.f32 v3, v1  }
0x98: {  	v62 =	vor.u32 s5, v0  }
0x99: {  	v2 =	vadd.s32 v2, v5;
	v3 =	vadd.f32 v3, v61  }
0x9a: {  	v0 =	vadd.s32 s8, v0  }
0x9b: {  	[tilespmem:$0x4300] =	vst v3  }
0x9c: {  	v3 =	vld.idx.msk [tilespmem:v4+s26+$0x0], $0xffff  }
0x9d: {  	v63 =	vld.idx.msk [tilespmem:v62+s31+$0x0], $0xffff  }
0x9e: {  	v2 =	vld.idx.msk [tilespmem:v2+s26+$0x0], $0xffff  }
0x9f: {  	v0 =	vld.idx.msk [tilespmem:v0+s31+$0x0], $0xffff;
	_ =	sdelay $0x4  }
0xa0: {  	v3 =	vpsel p6, v63, v3;
	v0 =	vpsel p1, v0, v2  }
0xa1: {  	v0 =	vsub.f32 v0, v3;
	_ =	sdelay $0x1  }
0xa2: {  	v0 =	vmul.f32 v0, v1;
	_ =	sdelay $0x1  }
0xa3: {  	v0 =	vadd.f32 v0, v3;
	_ =	sdelay $0x1  }
0xa4: {  	s30 =	simm.s32 $0x4300;
	s31 =	simm.s32 $0x4;
	[tilespmem:$0x4310] =	vst v0  }
0xa5: {  	[hbm4b:s1+s2] =	stream.linear.scatter [tilespmem:s30], [sflag:$0x4], $0x80, $0x38;
	[tilespmem:$0x4380] =	vst v63  }
0xa6: {  	_ =	swait.ge [sflag:s31], $0x80  }
0xa7: {  	[sflag:s31] =	ssyncset.done $0x0  }
0xa8: {  	[sflag:s31] =	ssyncadd.s32 $0xFFFFFF80  }
0xa9: {  	_ =	sfence.sel $0x180000  }
0xaa: {  	[bflag:$0x0] =	sbarrier.arrive $0xFFFF  }
0xab: {  	_ =	strace $0x90000047  }
0xac: {  	s0 =	sadd.s32 $0x100000, s0;
	[bflag:$0x2] =	sbarrier.arrive $0xFFFF  }
0xad: {  	[sflag:s0] =	ssyncadd.tile.s32 $0x1;
	_ =	shalt  }
.Lfunc_end2:
_tile_overlayer_lowered:
.L_overlay_start_2:
0xae: {  	(tag) =	ssettag $0x2  }
0xaf: {  	s0 =	rddreg [dreg:$0x0];
	s2 =	stileid.u32  }
0xb0: {  	s1 =	rddreg [dreg:$0x1];
	p0 =	sne.s32 s2, $0x0  }
0xb1: {  	s3 =	rddreg [dreg:$0x2];
	[bflag:$0x3] =	sbarrier.arrive $0xFFFF;
	s2 =	simm.s32 @!p0 $0x1C04  }
0xb2: {  	[timem:s3], [sflag:s2] =	dma.local @!p0 [hbm:s0], s1  }
0xb3: {  	s0 =	simm.s32 @!p0 $0x4  }
0xb4: {  	_ =	swait.ge @!p0 [sflag:s0], s1  }
0xb5: {  	s1 =	ssub.s32 @!p0 $0x0, s1;
	[sflag:s0] =	ssyncset.done @!p0 $0x0  }
0xb6: {  	[sflag:s0] =	ssyncadd.s32 @!p0 s1  }
0xb7: {  	[bflag:$0x3] =	sbarrier.arrive $0xFFFF  }
0xb8: {  	_ =	shalt  }

</sc_bundles>
